<compile_context>
chip_gen: v7x
topology: tpu7x:2x2x1
jax: 0.10.2.dev20260603
libtpu: 0.0.44.dev20260713+nightly
codegen_flags: <defaults>
</compile_context>

<pallas_src>
import functools

import jax
import jax.numpy as jnp
from jax import lax
from jax.experimental import pallas as pl
from jax.experimental.pallas import tpu as pltpu
from jax.experimental.pallas import tpu_sc as plsc

N = 10000
E = 320000
D = 128
DH = D // 2

NC = 2
NS = 16
CHUNK = 80
EPT = E // NS
NCHUNK = EPT // CHUNK
NP = 10240
RPT = NP // NS
ZROWS = 80
ZDROWS = 128
DEGW = 16


def _sc_aggregate(ei, feat_cols):
    mesh = plsc.VectorSubcoreMesh(core_axis_name="c", subcore_axis_name="s")

    @functools.partial(
        pl.kernel,
        out_type=[
            jax.ShapeDtypeStruct((NP, D), jnp.float32),
            jax.ShapeDtypeStruct((NP, DEGW), jnp.float32),
        ],
        mesh=mesh,
        scratch_types=[
            pltpu.VMEM((NCHUNK, CHUNK), jnp.int32),
            pltpu.VMEM((NCHUNK, CHUNK), jnp.int32),
            pltpu.VMEM((CHUNK, DH), jnp.float32),
            pltpu.VMEM((CHUNK, DH), jnp.float32),
            pltpu.VMEM((CHUNK, DH), jnp.float32),
            pltpu.VMEM((CHUNK, DH), jnp.float32),
            pltpu.VMEM((CHUNK, DEGW), jnp.float32),
            pltpu.VMEM((ZROWS, DH), jnp.float32),
            pltpu.VMEM((ZDROWS, DEGW), jnp.float32),
            pltpu.VMEM_SHARED((NP, DH), jnp.float32),
            pltpu.VMEM_SHARED((NP, DEGW), jnp.float32),
            pltpu.SemaphoreType.DMA,
            pltpu.SemaphoreType.DMA,
            pltpu.SemaphoreType.DMA,
        ],
        compiler_params=pltpu.CompilerParams(use_tc_tiling_on_sc=False),
    )
    def k(ei_hbm, feat_hbm, sum_out, deg_out,
          src_v, dst_v, g0, g1, g2, g3, ones_v, zsum_v, zdeg_v,
          acc_sh, deg_sh, gsem, ssem, osem):
        cid = lax.axis_index("c")
        sid = lax.axis_index("s")
        row0 = sid * RPT
        bufs = [g0, g1, g2, g3]

        pltpu.async_copy(ei_hbm.at[0, sid], src_v, gsem)
        pltpu.async_copy(ei_hbm.at[1, sid], dst_v, gsem)

        zero16 = jnp.zeros((16,), jnp.float32)
        one16 = jnp.ones((16,), jnp.float32)

        def fill_ones(i, carry):
            ones_v[i] = one16
            return carry
        lax.fori_loop(0, CHUNK, fill_ones, 0)

        def fill_zsum(i, carry):
            r = i // (DH // 16)
            c = lax.rem(i, DH // 16)
            zsum_v[r, pl.ds(c * 16, 16)] = zero16
            return carry
        lax.fori_loop(0, ZROWS * (DH // 16), fill_zsum, 0)

        def fill_zdeg(i, carry):
            zdeg_v[i] = zero16
            return carry
        lax.fori_loop(0, ZDROWS, fill_zdeg, 0)

        def zacc(t, carry):
            pltpu.sync_copy(zsum_v, acc_sh.at[pl.ds(row0 + t * ZROWS, ZROWS)])
            return carry
        lax.fori_loop(0, RPT // ZROWS, zacc, 0)

        def zdeg(t, carry):
            pltpu.sync_copy(zdeg_v,
                            deg_sh.at[pl.ds(row0 + t * ZDROWS, ZDROWS)])
            return carry
        lax.fori_loop(0, RPT // ZDROWS, zdeg, 0)

        pltpu.make_async_copy(ei_hbm.at[0, sid], src_v, gsem).wait()
        pltpu.make_async_copy(ei_hbm.at[1, sid], dst_v, gsem).wait()

        plsc.subcore_barrier()

        def edge_loop(feat_ref, lo):
            def gissue(j, buf):
                pltpu.async_copy(feat_ref.at[src_v.at[j]], buf, gsem)

            def gwait(j, buf):
                pltpu.make_async_copy(feat_ref.at[src_v.at[j]],
                                      buf, gsem).wait()

            def sissue(j, buf):
                pltpu.async_copy(buf, acc_sh.at[dst_v.at[j]], ssem, add=True)

            def swait(j, buf):
                pltpu.make_async_copy(buf, acc_sh.at[dst_v.at[j]],
                                      ssem).wait()

            def oissue(j):
                if lo:
                    pltpu.async_copy(ones_v, deg_sh.at[dst_v.at[j]],
                                     osem, add=True)

            def owait(j):
                if lo:
                    pltpu.make_async_copy(ones_v, deg_sh.at[dst_v.at[j]],
                                          osem).wait()

            gissue(0, bufs[0])
            gissue(1, bufs[1])

            def phase(j, p):
                gwait(j, bufs[p])
                sissue(j, bufs[p])
                oissue(j)

                @pl.when(j >= 2)
                def _():
                    swait(j - 2, bufs[(p + 2) % 4])
                    owait(j - 2)

                j2 = jnp.minimum(j + 2, NCHUNK - 1)
                gissue(j2, bufs[(p + 2) % 4])

            def body(jj, carry):
                j0 = 4 * jj
                phase(j0, 0)
                phase(j0 + 1, 1)
                phase(j0 + 2, 2)
                phase(j0 + 3, 3)
                return carry
            lax.fori_loop(0, NCHUNK // 4, body, 0)
            phase(jnp.int32(NCHUNK - 2), (NCHUNK - 2) % 4)
            phase(jnp.int32(NCHUNK - 1), (NCHUNK - 1) % 4)

            swait(NCHUNK - 2, bufs[(NCHUNK - 2) % 4])
            owait(NCHUNK - 2)
            swait(NCHUNK - 1, bufs[(NCHUNK - 1) % 4])
            owait(NCHUNK - 1)
            gwait(NCHUNK - 1, bufs[NCHUNK % 4])
            gwait(NCHUNK - 1, bufs[(NCHUNK + 1) % 4])

        @pl.when(cid == 0)
        def _():
            edge_loop(feat_hbm.at[0], True)

        @pl.when(cid == 1)
        def _():
            edge_loop(feat_hbm.at[1], False)

        plsc.subcore_barrier()

        @pl.when(cid == 0)
        def _():
            pltpu.sync_copy(acc_sh.at[pl.ds(row0, RPT)],
                            sum_out.at[pl.ds(row0, RPT), pl.ds(0, DH)])
            pltpu.sync_copy(deg_sh.at[pl.ds(row0, RPT)],
                            deg_out.at[pl.ds(row0, RPT)])

        @pl.when(cid == 1)
        def _():
            pltpu.sync_copy(acc_sh.at[pl.ds(row0, RPT)],
                            sum_out.at[pl.ds(row0, RPT), pl.ds(DH, DH)])

    return k(ei, feat_cols)


def _tc_finalize(sums, degs, W):
    R = 1000

    def body(s_ref, d_ref, w_ref, o_ref):
        s = s_ref[...]
        deg = d_ref[:, :1]
        rst = s / jnp.maximum(deg, 1.0)
        out = jnp.dot(rst, w_ref[...], preferred_element_type=jnp.float32)
        o_ref[...] = jnp.maximum(out, 0.0)

    return pl.pallas_call(
        body,
        grid=(N // R,),
        in_specs=[
            pl.BlockSpec((R, D), lambda i: (i, 0)),
            pl.BlockSpec((R, DEGW), lambda i: (i, 0)),
            pl.BlockSpec((D, D), lambda i: (0, 0)),
        ],
        out_specs=pl.BlockSpec((R, D), lambda i: (i, 0)),
        out_shape=jax.ShapeDtypeStruct((N, D), jnp.float32),
    )(sums, degs, W)


@jax.jit
def kernel(feat, edge_index, W):
    ei = edge_index.reshape(2, NS, NCHUNK, CHUNK)
    feat_cols = jnp.stack([feat[:, :DH], feat[:, DH:]])
    sums, degs = _sc_aggregate(ei, feat_cols)
    return _tc_finalize(sums, degs, W)

# --- scband reference (transcript-rebuilt; emitter-appended) ---
"""Pipeline reference for scband-hetero-graph-conv-66202625900919 (READ-ONLY COPY).

The authoritative reference and input builder live on the scoring server;
editing this copy changes nothing except your own understanding.
"""

import jax, jax.numpy as jnp
import numpy as np

N = 10000
E = 320000
D_IN = 128
D_OUT = 128


def setup_inputs(seed: int = 0) -> dict:
    key = jax.random.key(seed)
    k1, k2, k3 = jax.random.split(key, 3)
    feat = jax.random.normal(k1, (N, D_IN), dtype=jnp.float32)
    edge_index = jax.random.randint(k2, (2, E), 0, N, dtype=jnp.int32)
    # xavier_uniform init for weight [in_feats, out_feats]
    a = float(np.sqrt(6.0 / (D_IN + D_OUT)))
    W = jax.random.uniform(k3, (D_IN, D_OUT), dtype=jnp.float32, minval=-a, maxval=a)
    return {"feat": feat, "edge_index": edge_index, "W": W}


def reference(feat, edge_index, W):
    # in_feats == out_feats, so in_feats > out_feats is False:
    # aggregate first (copy_src + mean), then matmul, then relu.
    src = edge_index[0]
    dst = edge_index[1]
    msgs = jnp.take(feat, src, axis=0)                      # gather: copy_src
    summed = jax.ops.segment_sum(msgs, dst, num_segments=N)  # scatter-add
    deg = jax.ops.segment_sum(jnp.ones((E,), dtype=feat.dtype), dst, num_segments=N)
    rst = summed / jnp.maximum(deg, 1.0)[:, None]            # mean (0 for isolated dst)
    rst = jnp.matmul(rst, W)
    return jax.nn.relu(rst)

if __name__ == "__main__":
    import jax
    _d = setup_inputs()
    print(jax.jit(kernel)(*tuple(_d.values())))

</pallas_src>

<mosaic_0001>
#map = affine_map<(d0, d1) -> (0, 0, 0, 0)>
#map1 = affine_map<(d0, d1) -> (0, 0, 0)>
#map2 = affine_map<(d0, d1) -> (0, 0)>
module attributes {stable_mosaic.version = 14 : i64} {
  func.func @k(%arg0: i32, %arg1: i32, %arg2: memref<2x16x250x80xi32, #tpu.memory_space<hbm>>, %arg3: memref<2x10000x64xf32, #tpu.memory_space<hbm>>, %arg4: memref<10240x128xf32, #tpu.memory_space<hbm>>, %arg5: memref<10240x16xf32, #tpu.memory_space<hbm>>, %arg6: memref<250x80xi32, #tpu.memory_space<vmem>>, %arg7: memref<250x80xi32, #tpu.memory_space<vmem>>, %arg8: memref<80x64xf32, #tpu.memory_space<vmem>>, %arg9: memref<80x64xf32, #tpu.memory_space<vmem>>, %arg10: memref<80x64xf32, #tpu.memory_space<vmem>>, %arg11: memref<80x64xf32, #tpu.memory_space<vmem>>, %arg12: memref<80x16xf32, #tpu.memory_space<vmem>>, %arg13: memref<80x64xf32, #tpu.memory_space<vmem>>, %arg14: memref<128x16xf32, #tpu.memory_space<vmem>>, %arg15: memref<10240x64xf32, #tpu.memory_space<vmem_shared>>, %arg16: memref<10240x16xf32, #tpu.memory_space<vmem_shared>>, %arg17: memref<!tpu.dma_semaphore, #tpu.memory_space<semaphore_mem>>, %arg18: memref<!tpu.dma_semaphore, #tpu.memory_space<semaphore_mem>>, %arg19: memref<!tpu.dma_semaphore, #tpu.memory_space<semaphore_mem>>) attributes {dimension_semantics = [#tpu.dimension_semantics<core_parallel>, #tpu.dimension_semantics<subcore_parallel>], iteration_bounds = array<i64: 2, 16>, scalar_prefetch = 0 : i64, scratch_operands = 14 : i64, tpu.core_type = #tpu.core_type<sc_vector_subcore>, window_params = [{transform_indices = #map}, {transform_indices = #map1}, {transform_indices = #map2}, {transform_indices = #map2}]} {
    %mul3A = arith.constant 640 : i32
    %mul3A_0 = arith.muli %arg1, %mul3A : i32
    %dma_start3A = arith.constant 0 : i32
    %dma_start3A_1 = arith.constant 0 : i32
    %dma_start3A_2 = arith.constant 0 : i32
    %dma_start3A_3 = tpu.memref_slice %arg2[%dma_start3A, %arg1, %dma_start3A_1, %dma_start3A_2] : memref<2x16x250x80xi32, #tpu.memory_space<hbm>> -> memref<1x1x250x80xi32, #tpu.memory_space<hbm>>
    %dma_start3A_4 = tpu.memref_squeeze %dma_start3A_3 : memref<1x1x250x80xi32, #tpu.memory_space<hbm>> -> memref<250x80xi32, #tpu.memory_space<hbm>>
    %dma_start3A_5 = arith.constant 0 : i32
    %dma_start3A_6 = arith.constant 0 : i32
    %dma_start3A_7 = tpu.memref_slice %arg2[%dma_start3A, %arg1, %dma_start3A_5, %dma_start3A_6] : memref<2x16x250x80xi32, #tpu.memory_space<hbm>> -> memref<1x1x250x80xi32, #tpu.memory_space<hbm>>
    %dma_start3A_8 = tpu.memref_squeeze %dma_start3A_7 : memref<1x1x250x80xi32, #tpu.memory_space<hbm>> -> memref<250x80xi32, #tpu.memory_space<hbm>>
    tpu.enqueue_dma source(%dma_start3A_8 : memref<250x80xi32, #tpu.memory_space<hbm>>) target(%arg6 : memref<250x80xi32, #tpu.memory_space<vmem>>) target_semaphore(%arg17 : memref<!tpu.dma_semaphore, #tpu.memory_space<semaphore_mem>>)
    %dma_start3A_9 = arith.constant 1 : i32
    %dma_start3A_10 = arith.constant 0 : i32
    %dma_start3A_11 = arith.constant 0 : i32
    %dma_start3A_12 = tpu.memref_slice %arg2[%dma_start3A_9, %arg1, %dma_start3A_10, %dma_start3A_11] : memref<2x16x250x80xi32, #tpu.memory_space<hbm>> -> memref<1x1x250x80xi32, #tpu.memory_space<hbm>>
    %dma_start3A_13 = tpu.memref_squeeze %dma_start3A_12 : memref<1x1x250x80xi32, #tpu.memory_space<hbm>> -> memref<250x80xi32, #tpu.memory_space<hbm>>
    %dma_start3A_14 = arith.constant 0 : i32
    %dma_start3A_15 = arith.constant 0 : i32
    %dma_start3A_16 = tpu.memref_slice %arg2[%dma_start3A_9, %arg1, %dma_start3A_14, %dma_start3A_15] : memref<2x16x250x80xi32, #tpu.memory_space<hbm>> -> memref<1x1x250x80xi32, #tpu.memory_space<hbm>>
    %dma_start3A_17 = tpu.memref_squeeze %dma_start3A_16 : memref<1x1x250x80xi32, #tpu.memory_space<hbm>> -> memref<250x80xi32, #tpu.memory_space<hbm>>
    tpu.enqueue_dma source(%dma_start3A_17 : memref<250x80xi32, #tpu.memory_space<hbm>>) target(%arg7 : memref<250x80xi32, #tpu.memory_space<vmem>>) target_semaphore(%arg17 : memref<!tpu.dma_semaphore, #tpu.memory_space<semaphore_mem>>)
    %broadcast_in_dim3A = arith.constant 0.000000e+00 : f32
    %broadcast_in_dim3A_18 = vector.broadcast %broadcast_in_dim3A : f32 to vector<16xf32>
    %broadcast_in_dim3A_19 = arith.constant 1.000000e+00 : f32
    %broadcast_in_dim3A_20 = vector.broadcast %broadcast_in_dim3A_19 : f32 to vector<16xf32>
    %scan3A = arith.constant 0 : i32
    %scan3A_21 = arith.constant 0 : i32
    %scan3A_22 = arith.constant 80 : i32
    %scan3A_23 = arith.addi %scan3A_21, %scan3A_22 : i32
    %scan3A_24 = arith.constant 1 : i32
    scf.for %scan3A_85 = %scan3A_21 to %scan3A_23 step %scan3A_24  : i32 {
      %swap3A = arith.index_cast %scan3A_85 : i32 to index
      %swap3A_86 = arith.constant 0 : index
      %swap3A_87 = tpu.vector_load %arg12[%swap3A, %swap3A_86] {strides = array<i32>} : memref<80x16xf32, #tpu.memory_space<vmem>>, vector<1x16xf32>,
      %swap3A_88 = vector.shape_cast %swap3A_87 : vector<1x16xf32> to vector<16xf32>
      %swap3A_89 = vector.shape_cast %broadcast_in_dim3A_20 : vector<16xf32> to vector<1x16xf32>
      tpu.vector_store %arg12[%swap3A, %swap3A_86], %swap3A_89 {strides = array<i32>} : memref<80x16xf32, #tpu.memory_space<vmem>>, vector<1x16xf32>,
    }
    %scan3A_25 = arith.constant 80 : i32
    %scan3A_26 = arith.constant 0 : i32
    %scan3A_27 = arith.constant 0 : i32
    %scan3A_28 = arith.constant 320 : i32
    %scan3A_29 = arith.addi %scan3A_27, %scan3A_28 : i32
    %scan3A_30 = arith.constant 1 : i32
    scf.for %scan3A_85 = %scan3A_27 to %scan3A_29 step %scan3A_30  : i32 {
      %jit3A = arith.constant 4 : i32
      %div3A = arith.divsi %scan3A_85, %jit3A : i32
      %sign3A = arith.constant 0 : i32
      %sign3A_86 = arith.cmpi sgt, %scan3A_85, %sign3A : i32
      %sign3A_87 = arith.extui %sign3A_86 : i1 to i32
      %sign3A_88 = arith.constant 0 : i32
      %sign3A_89 = arith.cmpi slt, %scan3A_85, %sign3A_88 : i32
      %sign3A_90 = arith.extui %sign3A_89 : i1 to i32
      %sign3A_91 = arith.subi %sign3A_87, %sign3A_90 : i32
      %sign3A_92 = arith.constant 0 : i32
      %sign3A_93 = arith.cmpi sgt, %jit3A, %sign3A_92 : i32
      %sign3A_94 = arith.extui %sign3A_93 : i1 to i32
      %sign3A_95 = arith.constant 0 : i32
      %sign3A_96 = arith.cmpi slt, %jit3A, %sign3A_95 : i32
      %sign3A_97 = arith.extui %sign3A_96 : i1 to i32
      %sign3A_98 = arith.subi %sign3A_94, %sign3A_97 : i32
      %ne3A = arith.cmpi ne, %sign3A_91, %sign3A_98 : i32
      %rem3A = arith.remsi %scan3A_85, %jit3A : i32
      %ne3A_99 = arith.constant 0 : i32
      %ne3A_100 = arith.cmpi ne, %rem3A, %ne3A_99 : i32
      %and3A = arith.andi %ne3A, %ne3A_100 : i1
      %sub3A = arith.constant 1 : i32
      %sub3A_101 = arith.subi %div3A, %sub3A : i32
      %select_n3A = arith.select %and3A, %sub3A_101, %div3A : i32
      %rem3A_102 = arith.constant 4 : i32
      %rem3A_103 = arith.remsi %scan3A_85, %rem3A_102 : i32
      %mul3A_104 = arith.constant 16 : i32
      %mul3A_105 = arith.muli %rem3A_103, %mul3A_104 : i32
      %swap3A = arith.index_cast %select_n3A : i32 to index
      %swap3A_106 = arith.index_cast %mul3A_105 : i32 to index
      %swap3A_107 = tpu.vector_load %arg13[%swap3A, %swap3A_106] {strides = array<i32>} : memref<80x64xf32, #tpu.memory_space<vmem>>, vector<1x16xf32>,
      %swap3A_108 = vector.shape_cast %swap3A_107 : vector<1x16xf32> to vector<16xf32>
      %swap3A_109 = vector.shape_cast %broadcast_in_dim3A_18 : vector<16xf32> to vector<1x16xf32>
      tpu.vector_store %arg13[%swap3A, %swap3A_106], %swap3A_109 {strides = array<i32>} : memref<80x64xf32, #tpu.memory_space<vmem>>, vector<1x16xf32>,
    }
    %scan3A_31 = arith.constant 320 : i32
    %scan3A_32 = arith.constant 0 : i32
    %scan3A_33 = arith.constant 0 : i32
    %scan3A_34 = arith.constant 128 : i32
    %scan3A_35 = arith.addi %scan3A_33, %scan3A_34 : i32
    %scan3A_36 = arith.constant 1 : i32
    scf.for %scan3A_85 = %scan3A_33 to %scan3A_35 step %scan3A_36  : i32 {
      %swap3A = arith.index_cast %scan3A_85 : i32 to index
      %swap3A_86 = arith.constant 0 : index
      %swap3A_87 = tpu.vector_load %arg14[%swap3A, %swap3A_86] {strides = array<i32>} : memref<128x16xf32, #tpu.memory_space<vmem>>, vector<1x16xf32>,
      %swap3A_88 = vector.shape_cast %swap3A_87 : vector<1x16xf32> to vector<16xf32>
      %swap3A_89 = vector.shape_cast %broadcast_in_dim3A_18 : vector<16xf32> to vector<1x16xf32>
      tpu.vector_store %arg14[%swap3A, %swap3A_86], %swap3A_89 {strides = array<i32>} : memref<128x16xf32, #tpu.memory_space<vmem>>, vector<1x16xf32>,
    }
    %scan3A_37 = arith.constant 128 : i32
    %scan3A_38 = arith.constant 0 : i32
    %scan3A_39 = arith.constant 0 : i32
    %scan3A_40 = arith.constant 8 : i32
    %scan3A_41 = arith.addi %scan3A_39, %scan3A_40 : i32
    %scan3A_42 = arith.constant 1 : i32
    scf.for %scan3A_85 = %scan3A_39 to %scan3A_41 step %scan3A_42  : i32 {
      %mul3A_86 = arith.constant 80 : i32
      %mul3A_87 = arith.muli %scan3A_85, %mul3A_86 : i32
      %add3A = arith.addi %mul3A_0, %mul3A_87 : i32
      "tpu.region"() ({
        %run_scoped3A = tpu.sem_alloc : memref<!tpu.dma_semaphore, #tpu.memory_space<semaphore_mem>>
        %dma_start3A_88 = arith.constant 0 : i32
        %dma_start3A_89 = tpu.memref_slice %arg15[%add3A, %dma_start3A_88] : memref<10240x64xf32, #tpu.memory_space<vmem_shared>> -> memref<80x64xf32, #tpu.memory_space<vmem_shared>>
        %dma_start3A_90 = arith.constant 0 : i32
        %dma_start3A_91 = tpu.memref_slice %arg15[%add3A, %dma_start3A_90] : memref<10240x64xf32, #tpu.memory_space<vmem_shared>> -> memref<80x64xf32, #tpu.memory_space<vmem_shared>>
        tpu.enqueue_dma source(%arg13 : memref<80x64xf32, #tpu.memory_space<vmem>>) target(%dma_start3A_91 : memref<80x64xf32, #tpu.memory_space<vmem_shared>>) target_semaphore(%run_scoped3A : memref<!tpu.dma_semaphore, #tpu.memory_space<semaphore_mem>>)
        %dma_wait3A_92 = arith.constant 0 : i32
        %dma_wait3A_93 = tpu.memref_slice %arg15[%add3A, %dma_wait3A_92] : memref<10240x64xf32, #tpu.memory_space<vmem_shared>> -> memref<80x64xf32, #tpu.memory_space<vmem_shared>>
        %dma_wait3A_94 = arith.constant 0 : i32
        %dma_wait3A_95 = tpu.memref_slice %arg15[%add3A, %dma_wait3A_94] : memref<10240x64xf32, #tpu.memory_space<vmem_shared>> -> memref<80x64xf32, #tpu.memory_space<vmem_shared>>
        tpu.wait_dma2 semaphore(%run_scoped3A : memref<!tpu.dma_semaphore, #tpu.memory_space<semaphore_mem>>) src(%arg13 : memref<80x64xf32, #tpu.memory_space<vmem>>) dst(%dma_wait3A_95 : memref<80x64xf32, #tpu.memory_space<vmem_shared>>)
        tpu.yield
      }) : () -> ()
    }
    %scan3A_43 = arith.constant 8 : i32
    %scan3A_44 = arith.constant 0 : i32
    %scan3A_45 = arith.constant 0 : i32
    %scan3A_46 = arith.constant 5 : i32
    %scan3A_47 = arith.addi %scan3A_45, %scan3A_46 : i32
    %scan3A_48 = arith.constant 1 : i32
    scf.for %scan3A_85 = %scan3A_45 to %scan3A_47 step %scan3A_48  : i32 {
      %mul3A_86 = arith.constant 128 : i32
      %mul3A_87 = arith.muli %scan3A_85, %mul3A_86 : i32
      %add3A = arith.addi %mul3A_0, %mul3A_87 : i32
      "tpu.region"() ({
        %run_scoped3A = tpu.sem_alloc : memref<!tpu.dma_semaphore, #tpu.memory_space<semaphore_mem>>
        %dma_start3A_88 = arith.constant 0 : i32
        %dma_start3A_89 = tpu.memref_slice %arg16[%add3A, %dma_start3A_88] : memref<10240x16xf32, #tpu.memory_space<vmem_shared>> -> memref<128x16xf32, #tpu.memory_space<vmem_shared>>
        %dma_start3A_90 = arith.constant 0 : i32
        %dma_start3A_91 = tpu.memref_slice %arg16[%add3A, %dma_start3A_90] : memref<10240x16xf32, #tpu.memory_space<vmem_shared>> -> memref<128x16xf32, #tpu.memory_space<vmem_shared>>
        tpu.enqueue_dma source(%arg14 : memref<128x16xf32, #tpu.memory_space<vmem>>) target(%dma_start3A_91 : memref<128x16xf32, #tpu.memory_space<vmem_shared>>) target_semaphore(%run_scoped3A : memref<!tpu.dma_semaphore, #tpu.memory_space<semaphore_mem>>)
        %dma_wait3A_92 = arith.constant 0 : i32
        %dma_wait3A_93 = tpu.memref_slice %arg16[%add3A, %dma_wait3A_92] : memref<10240x16xf32, #tpu.memory_space<vmem_shared>> -> memref<128x16xf32, #tpu.memory_space<vmem_shared>>
        %dma_wait3A_94 = arith.constant 0 : i32
        %dma_wait3A_95 = tpu.memref_slice %arg16[%add3A, %dma_wait3A_94] : memref<10240x16xf32, #tpu.memory_space<vmem_shared>> -> memref<128x16xf32, #tpu.memory_space<vmem_shared>>
        tpu.wait_dma2 semaphore(%run_scoped3A : memref<!tpu.dma_semaphore, #tpu.memory_space<semaphore_mem>>) src(%arg14 : memref<128x16xf32, #tpu.memory_space<vmem>>) dst(%dma_wait3A_95 : memref<128x16xf32, #tpu.memory_space<vmem_shared>>)
        tpu.yield
      }) : () -> ()
    }
    %scan3A_49 = arith.constant 5 : i32
    %dma_wait3A = arith.constant 0 : i32
    %dma_wait3A_50 = arith.constant 0 : i32
    %dma_wait3A_51 = arith.constant 0 : i32
    %dma_wait3A_52 = tpu.memref_slice %arg2[%dma_wait3A, %arg1, %dma_wait3A_50, %dma_wait3A_51] : memref<2x16x250x80xi32, #tpu.memory_space<hbm>> -> memref<1x1x250x80xi32, #tpu.memory_space<hbm>>
    %dma_wait3A_53 = tpu.memref_squeeze %dma_wait3A_52 : memref<1x1x250x80xi32, #tpu.memory_space<hbm>> -> memref<250x80xi32, #tpu.memory_space<hbm>>
    %dma_wait3A_54 = arith.constant 0 : i32
    %dma_wait3A_55 = arith.constant 0 : i32
    %dma_wait3A_56 = tpu.memref_slice %arg2[%dma_wait3A, %arg1, %dma_wait3A_54, %dma_wait3A_55] : memref<2x16x250x80xi32, #tpu.memory_space<hbm>> -> memref<1x1x250x80xi32, #tpu.memory_space<hbm>>
    %dma_wait3A_57 = tpu.memref_squeeze %dma_wait3A_56 : memref<1x1x250x80xi32, #tpu.memory_space<hbm>> -> memref<250x80xi32, #tpu.memory_space<hbm>>
    tpu.wait_dma2 semaphore(%arg17 : memref<!tpu.dma_semaphore, #tpu.memory_space<semaphore_mem>>) src(%dma_wait3A_57 : memref<250x80xi32, #tpu.memory_space<hbm>>) dst(%arg6 : memref<250x80xi32, #tpu.memory_space<vmem>>)
    %dma_wait3A_58 = arith.constant 1 : i32
    %dma_wait3A_59 = arith.constant 0 : i32
    %dma_wait3A_60 = arith.constant 0 : i32
    %dma_wait3A_61 = tpu.memref_slice %arg2[%dma_wait3A_58, %arg1, %dma_wait3A_59, %dma_wait3A_60] : memref<2x16x250x80xi32, #tpu.memory_space<hbm>> -> memref<1x1x250x80xi32, #tpu.memory_space<hbm>>
    %dma_wait3A_62 = tpu.memref_squeeze %dma_wait3A_61 : memref<1x1x250x80xi32, #tpu.memory_space<hbm>> -> memref<250x80xi32, #tpu.memory_space<hbm>>
    %dma_wait3A_63 = arith.constant 0 : i32
    %dma_wait3A_64 = arith.constant 0 : i32
    %dma_wait3A_65 = tpu.memref_slice %arg2[%dma_wait3A_58, %arg1, %dma_wait3A_63, %dma_wait3A_64] : memref<2x16x250x80xi32, #tpu.memory_space<hbm>> -> memref<1x1x250x80xi32, #tpu.memory_space<hbm>>
    %dma_wait3A_66 = tpu.memref_squeeze %dma_wait3A_65 : memref<1x1x250x80xi32, #tpu.memory_space<hbm>> -> memref<250x80xi32, #tpu.memory_space<hbm>>
    tpu.wait_dma2 semaphore(%arg17 : memref<!tpu.dma_semaphore, #tpu.memory_space<semaphore_mem>>) src(%dma_wait3A_66 : memref<250x80xi32, #tpu.memory_space<hbm>>) dst(%arg7 : memref<250x80xi32, #tpu.memory_space<vmem>>)
    %barrier3A = arith.constant 0 : index
    tpu.barrier barrier_id(%barrier3A)
    %eq3A = arith.constant 0 : i32
    %eq3A_67 = arith.cmpi eq, %arg0, %eq3A : i32
    %convert_element_type3A = arith.extui %eq3A_67 : i1 to i32
    %cond3A = arith.constant 0 : i32
    %cond3A_68 = arith.cmpi ne, %convert_element_type3A, %cond3A : i32
    scf.if %cond3A_68 {
      %dma_start3A_85 = arith.constant 0 : i32
      %dma_start3A_86 = arith.constant 0 : i32
      %dma_start3A_87 = arith.constant 0 : i32
      %dma_start3A_88 = tpu.memref_slice %arg6[%dma_start3A_86, %dma_start3A_87] : memref<250x80xi32, #tpu.memory_space<vmem>> -> memref<1x80xi32, #tpu.memory_space<vmem>>
      %dma_start3A_89 = tpu.memref_squeeze %dma_start3A_88 : memref<1x80xi32, #tpu.memory_space<vmem>> -> memref<80xi32, #tpu.memory_space<vmem>>
      %dma_start3A_90 = arith.constant 0 : i32
      %dma_start3A_91 = arith.constant 0 : i32
      %dma_start3A_92 = tpu.memref_slice %arg3[%dma_start3A_85, %dma_start3A_90, %dma_start3A_91] : memref<2x10000x64xf32, #tpu.memory_space<hbm>> -> memref<1x10000x64xf32, #tpu.memory_space<hbm>>
      %dma_start3A_93 = tpu.memref_squeeze %dma_start3A_92 : memref<1x10000x64xf32, #tpu.memory_space<hbm>> -> memref<10000x64xf32, #tpu.memory_space<hbm>>
      %dma_start3A_94 = arith.constant 0 : i32
      %dma_start3A_95 = arith.constant 0 : i32
      %dma_start3A_96 = tpu.memref_slice %dma_start3A_93[%dma_start3A_94, %dma_start3A_95] : memref<10000x64xf32, #tpu.memory_space<hbm>> -> memref<10000x64xf32, #tpu.memory_space<hbm>>
      tpu.enqueue_indirect_dma source(%dma_start3A_96 : memref<10000x64xf32, #tpu.memory_space<hbm>>) target(%arg8 : memref<80x64xf32, #tpu.memory_space<vmem>>) offsets(%dma_start3A_89 : memref<80xi32, #tpu.memory_space<vmem>>) semaphore(%arg17 : memref<!tpu.dma_semaphore, #tpu.memory_space<semaphore_mem>>)
      %dma_start3A_97 = arith.constant 0 : i32
      %dma_start3A_98 = arith.constant 1 : i32
      %dma_start3A_99 = arith.constant 0 : i32
      %dma_start3A_100 = tpu.memref_slice %arg6[%dma_start3A_98, %dma_start3A_99] : memref<250x80xi32, #tpu.memory_space<vmem>> -> memref<1x80xi32, #tpu.memory_space<vmem>>
      %dma_start3A_101 = tpu.memref_squeeze %dma_start3A_100 : memref<1x80xi32, #tpu.memory_space<vmem>> -> memref<80xi32, #tpu.memory_space<vmem>>
      %dma_start3A_102 = arith.constant 0 : i32
      %dma_start3A_103 = arith.constant 0 : i32
      %dma_start3A_104 = tpu.memref_slice %arg3[%dma_start3A_97, %dma_start3A_102, %dma_start3A_103] : memref<2x10000x64xf32, #tpu.memory_space<hbm>> -> memref<1x10000x64xf32, #tpu.memory_space<hbm>>
      %dma_start3A_105 = tpu.memref_squeeze %dma_start3A_104 : memref<1x10000x64xf32, #tpu.memory_space<hbm>> -> memref<10000x64xf32, #tpu.memory_space<hbm>>
      %dma_start3A_106 = arith.constant 0 : i32
      %dma_start3A_107 = arith.constant 0 : i32
      %dma_start3A_108 = tpu.memref_slice %dma_start3A_105[%dma_start3A_106, %dma_start3A_107] : memref<10000x64xf32, #tpu.memory_space<hbm>> -> memref<10000x64xf32, #tpu.memory_space<hbm>>
      tpu.enqueue_indirect_dma source(%dma_start3A_108 : memref<10000x64xf32, #tpu.memory_space<hbm>>) target(%arg9 : memref<80x64xf32, #tpu.memory_space<vmem>>) offsets(%dma_start3A_101 : memref<80xi32, #tpu.memory_space<vmem>>) semaphore(%arg17 : memref<!tpu.dma_semaphore, #tpu.memory_space<semaphore_mem>>)
      %scan3A_109 = arith.constant 0 : i32
      %scan3A_110 = arith.constant 0 : i32
      %scan3A_111 = arith.constant 0 : i32
      %scan3A_112 = arith.constant 62 : i32
      %scan3A_113 = arith.addi %scan3A_111, %scan3A_112 : i32
      %scan3A_114 = arith.constant 1 : i32
      scf.for %scan3A_263 = %scan3A_111 to %scan3A_113 step %scan3A_114  : i32 {
        %mul3A_264 = arith.constant 4 : i32
        %mul3A_265 = arith.muli %mul3A_264, %scan3A_263 : i32
        %dma_wait3A_266 = arith.constant 0 : i32
        %dma_wait3A_267 = tpu.memref_slice %arg6[%mul3A_265, %dma_wait3A_266] : memref<250x80xi32, #tpu.memory_space<vmem>> -> memref<1x80xi32, #tpu.memory_space<vmem>>
        %dma_wait3A_268 = tpu.memref_squeeze %dma_wait3A_267 : memref<1x80xi32, #tpu.memory_space<vmem>> -> memref<80xi32, #tpu.memory_space<vmem>>
        %dma_wait3A_269 = arith.constant 0 : i32
        %dma_wait3A_270 = arith.constant 0 : i32
        %dma_wait3A_271 = tpu.memref_slice %arg3[%scan3A_110, %dma_wait3A_269, %dma_wait3A_270] : memref<2x10000x64xf32, #tpu.memory_space<hbm>> -> memref<1x10000x64xf32, #tpu.memory_space<hbm>>
        %dma_wait3A_272 = tpu.memref_squeeze %dma_wait3A_271 : memref<1x10000x64xf32, #tpu.memory_space<hbm>> -> memref<10000x64xf32, #tpu.memory_space<hbm>>
        %dma_wait3A_273 = arith.constant 0 : i32
        %dma_wait3A_274 = arith.constant 0 : i32
        %dma_wait3A_275 = tpu.memref_slice %dma_wait3A_272[%dma_wait3A_273, %dma_wait3A_274] : memref<10000x64xf32, #tpu.memory_space<hbm>> -> memref<10000x64xf32, #tpu.memory_space<hbm>>
        tpu.wait_indirect_dma semaphore(%arg17 : memref<!tpu.dma_semaphore, #tpu.memory_space<semaphore_mem>>) src(%dma_wait3A_275 : memref<10000x64xf32, #tpu.memory_space<hbm>>) dst(%arg8 : memref<80x64xf32, #tpu.memory_space<vmem>>)
        %dma_start3A_276 = arith.constant 0 : i32
        %dma_start3A_277 = tpu.memref_slice %arg7[%mul3A_265, %dma_start3A_276] : memref<250x80xi32, #tpu.memory_space<vmem>> -> memref<1x80xi32, #tpu.memory_space<vmem>>
        %dma_start3A_278 = tpu.memref_squeeze %dma_start3A_277 : memref<1x80xi32, #tpu.memory_space<vmem>> -> memref<80xi32, #tpu.memory_space<vmem>>
        %dma_start3A_279 = arith.constant 0 : i32
        %dma_start3A_280 = arith.constant 0 : i32
        %dma_start3A_281 = tpu.memref_slice %arg15[%dma_start3A_279, %dma_start3A_280] : memref<10240x64xf32, #tpu.memory_space<vmem_shared>> -> memref<10240x64xf32, #tpu.memory_space<vmem_shared>>
        tpu.enqueue_indirect_dma source(%arg8 : memref<80x64xf32, #tpu.memory_space<vmem>>) target(%dma_start3A_281 : memref<10240x64xf32, #tpu.memory_space<vmem_shared>>) offsets(%dma_start3A_278 : memref<80xi32, #tpu.memory_space<vmem>>) semaphore(%arg18 : memref<!tpu.dma_semaphore, #tpu.memory_space<semaphore_mem>>) {add = true}
        %dma_start3A_282 = arith.constant 0 : i32
        %dma_start3A_283 = tpu.memref_slice %arg7[%mul3A_265, %dma_start3A_282] : memref<250x80xi32, #tpu.memory_space<vmem>> -> memref<1x80xi32, #tpu.memory_space<vmem>>
        %dma_start3A_284 = tpu.memref_squeeze %dma_start3A_283 : memref<1x80xi32, #tpu.memory_space<vmem>> -> memref<80xi32, #tpu.memory_space<vmem>>
        %dma_start3A_285 = arith.constant 0 : i32
        %dma_start3A_286 = arith.constant 0 : i32
        %dma_start3A_287 = tpu.memref_slice %arg16[%dma_start3A_285, %dma_start3A_286] : memref<10240x16xf32, #tpu.memory_space<vmem_shared>> -> memref<10240x16xf32, #tpu.memory_space<vmem_shared>>
        tpu.enqueue_indirect_dma source(%arg12 : memref<80x16xf32, #tpu.memory_space<vmem>>) target(%dma_start3A_287 : memref<10240x16xf32, #tpu.memory_space<vmem_shared>>) offsets(%dma_start3A_284 : memref<80xi32, #tpu.memory_space<vmem>>) semaphore(%arg19 : memref<!tpu.dma_semaphore, #tpu.memory_space<semaphore_mem>>) {add = true}
        %ge3A_288 = arith.constant 2 : i32
        %ge3A_289 = arith.cmpi sge, %mul3A_265, %ge3A_288 : i32
        %convert_element_type3A_290 = arith.extui %ge3A_289 : i1 to i32
        %cond3A_291 = arith.constant 0 : i32
        %cond3A_292 = arith.cmpi ne, %convert_element_type3A_290, %cond3A_291 : i32
        scf.if %cond3A_292 {
          %sub3A = arith.constant 2 : i32
          %sub3A_436 = arith.subi %mul3A_265, %sub3A : i32
          %dma_wait3A_437 = arith.constant 0 : i32
          %dma_wait3A_438 = tpu.memref_slice %arg7[%sub3A_436, %dma_wait3A_437] : memref<250x80xi32, #tpu.memory_space<vmem>> -> memref<1x80xi32, #tpu.memory_space<vmem>>
          %dma_wait3A_439 = tpu.memref_squeeze %dma_wait3A_438 : memref<1x80xi32, #tpu.memory_space<vmem>> -> memref<80xi32, #tpu.memory_space<vmem>>
          %dma_wait3A_440 = arith.constant 0 : i32
          %dma_wait3A_441 = arith.constant 0 : i32
          %dma_wait3A_442 = tpu.memref_slice %arg15[%dma_wait3A_440, %dma_wait3A_441] : memref<10240x64xf32, #tpu.memory_space<vmem_shared>> -> memref<10240x64xf32, #tpu.memory_space<vmem_shared>>
          tpu.wait_indirect_dma semaphore(%arg18 : memref<!tpu.dma_semaphore, #tpu.memory_space<semaphore_mem>>) src(%arg10 : memref<80x64xf32, #tpu.memory_space<vmem>>) dst(%dma_wait3A_442 : memref<10240x64xf32, #tpu.memory_space<vmem_shared>>)
          %sub3A_443 = arith.constant 2 : i32
          %sub3A_444 = arith.subi %mul3A_265, %sub3A_443 : i32
          %dma_wait3A_445 = arith.constant 0 : i32
          %dma_wait3A_446 = tpu.memref_slice %arg7[%sub3A_444, %dma_wait3A_445] : memref<250x80xi32, #tpu.memory_space<vmem>> -> memref<1x80xi32, #tpu.memory_space<vmem>>
          %dma_wait3A_447 = tpu.memref_squeeze %dma_wait3A_446 : memref<1x80xi32, #tpu.memory_space<vmem>> -> memref<80xi32, #tpu.memory_space<vmem>>
          %dma_wait3A_448 = arith.constant 0 : i32
          %dma_wait3A_449 = arith.constant 0 : i32
          %dma_wait3A_450 = tpu.memref_slice %arg16[%dma_wait3A_448, %dma_wait3A_449] : memref<10240x16xf32, #tpu.memory_space<vmem_shared>> -> memref<10240x16xf32, #tpu.memory_space<vmem_shared>>
          tpu.wait_indirect_dma semaphore(%arg19 : memref<!tpu.dma_semaphore, #tpu.memory_space<semaphore_mem>>) src(%arg12 : memref<80x16xf32, #tpu.memory_space<vmem>>) dst(%dma_wait3A_450 : memref<10240x16xf32, #tpu.memory_space<vmem_shared>>)
        } else {
        }
        %add3A_293 = arith.constant 2 : i32
        %add3A_294 = arith.addi %mul3A_265, %add3A_293 : i32
        %min3A_295 = arith.constant 249 : i32
        %min3A_296 = arith.minsi %add3A_294, %min3A_295 : i32
        %dma_start3A_297 = arith.constant 0 : i32
        %dma_start3A_298 = tpu.memref_slice %arg6[%min3A_296, %dma_start3A_297] : memref<250x80xi32, #tpu.memory_space<vmem>> -> memref<1x80xi32, #tpu.memory_space<vmem>>
        %dma_start3A_299 = tpu.memref_squeeze %dma_start3A_298 : memref<1x80xi32, #tpu.memory_space<vmem>> -> memref<80xi32, #tpu.memory_space<vmem>>
        %dma_start3A_300 = arith.constant 0 : i32
        %dma_start3A_301 = arith.constant 0 : i32
        %dma_start3A_302 = tpu.memref_slice %arg3[%scan3A_110, %dma_start3A_300, %dma_start3A_301] : memref<2x10000x64xf32, #tpu.memory_space<hbm>> -> memref<1x10000x64xf32, #tpu.memory_space<hbm>>
        %dma_start3A_303 = tpu.memref_squeeze %dma_start3A_302 : memref<1x10000x64xf32, #tpu.memory_space<hbm>> -> memref<10000x64xf32, #tpu.memory_space<hbm>>
        %dma_start3A_304 = arith.constant 0 : i32
        %dma_start3A_305 = arith.constant 0 : i32
        %dma_start3A_306 = tpu.memref_slice %dma_start3A_303[%dma_start3A_304, %dma_start3A_305] : memref<10000x64xf32, #tpu.memory_space<hbm>> -> memref<10000x64xf32, #tpu.memory_space<hbm>>
        tpu.enqueue_indirect_dma source(%dma_start3A_306 : memref<10000x64xf32, #tpu.memory_space<hbm>>) target(%arg10 : memref<80x64xf32, #tpu.memory_space<vmem>>) offsets(%dma_start3A_299 : memref<80xi32, #tpu.memory_space<vmem>>) semaphore(%arg17 : memref<!tpu.dma_semaphore, #tpu.memory_space<semaphore_mem>>)
        %add3A_307 = arith.constant 1 : i32
        %add3A_308 = arith.addi %mul3A_265, %add3A_307 : i32
        %dma_wait3A_309 = arith.constant 0 : i32
        %dma_wait3A_310 = tpu.memref_slice %arg6[%add3A_308, %dma_wait3A_309] : memref<250x80xi32, #tpu.memory_space<vmem>> -> memref<1x80xi32, #tpu.memory_space<vmem>>
        %dma_wait3A_311 = tpu.memref_squeeze %dma_wait3A_310 : memref<1x80xi32, #tpu.memory_space<vmem>> -> memref<80xi32, #tpu.memory_space<vmem>>
        %dma_wait3A_312 = arith.constant 0 : i32
        %dma_wait3A_313 = arith.constant 0 : i32
        %dma_wait3A_314 = tpu.memref_slice %arg3[%scan3A_110, %dma_wait3A_312, %dma_wait3A_313] : memref<2x10000x64xf32, #tpu.memory_space<hbm>> -> memref<1x10000x64xf32, #tpu.memory_space<hbm>>
        %dma_wait3A_315 = tpu.memref_squeeze %dma_wait3A_314 : memref<1x10000x64xf32, #tpu.memory_space<hbm>> -> memref<10000x64xf32, #tpu.memory_space<hbm>>
        %dma_wait3A_316 = arith.constant 0 : i32
        %dma_wait3A_317 = arith.constant 0 : i32
        %dma_wait3A_318 = tpu.memref_slice %dma_wait3A_315[%dma_wait3A_316, %dma_wait3A_317] : memref<10000x64xf32, #tpu.memory_space<hbm>> -> memref<10000x64xf32, #tpu.memory_space<hbm>>
        tpu.wait_indirect_dma semaphore(%arg17 : memref<!tpu.dma_semaphore, #tpu.memory_space<semaphore_mem>>) src(%dma_wait3A_318 : memref<10000x64xf32, #tpu.memory_space<hbm>>) dst(%arg9 : memref<80x64xf32, #tpu.memory_space<vmem>>)
        %dma_start3A_319 = arith.constant 0 : i32
        %dma_start3A_320 = tpu.memref_slice %arg7[%add3A_308, %dma_start3A_319] : memref<250x80xi32, #tpu.memory_space<vmem>> -> memref<1x80xi32, #tpu.memory_space<vmem>>
        %dma_start3A_321 = tpu.memref_squeeze %dma_start3A_320 : memref<1x80xi32, #tpu.memory_space<vmem>> -> memref<80xi32, #tpu.memory_space<vmem>>
        %dma_start3A_322 = arith.constant 0 : i32
        %dma_start3A_323 = arith.constant 0 : i32
        %dma_start3A_324 = tpu.memref_slice %arg15[%dma_start3A_322, %dma_start3A_323] : memref<10240x64xf32, #tpu.memory_space<vmem_shared>> -> memref<10240x64xf32, #tpu.memory_space<vmem_shared>>
        tpu.enqueue_indirect_dma source(%arg9 : memref<80x64xf32, #tpu.memory_space<vmem>>) target(%dma_start3A_324 : memref<10240x64xf32, #tpu.memory_space<vmem_shared>>) offsets(%dma_start3A_321 : memref<80xi32, #tpu.memory_space<vmem>>) semaphore(%arg18 : memref<!tpu.dma_semaphore, #tpu.memory_space<semaphore_mem>>) {add = true}
        %dma_start3A_325 = arith.constant 0 : i32
        %dma_start3A_326 = tpu.memref_slice %arg7[%add3A_308, %dma_start3A_325] : memref<250x80xi32, #tpu.memory_space<vmem>> -> memref<1x80xi32, #tpu.memory_space<vmem>>
        %dma_start3A_327 = tpu.memref_squeeze %dma_start3A_326 : memref<1x80xi32, #tpu.memory_space<vmem>> -> memref<80xi32, #tpu.memory_space<vmem>>
        %dma_start3A_328 = arith.constant 0 : i32
        %dma_start3A_329 = arith.constant 0 : i32
        %dma_start3A_330 = tpu.memref_slice %arg16[%dma_start3A_328, %dma_start3A_329] : memref<10240x16xf32, #tpu.memory_space<vmem_shared>> -> memref<10240x16xf32, #tpu.memory_space<vmem_shared>>
        tpu.enqueue_indirect_dma source(%arg12 : memref<80x16xf32, #tpu.memory_space<vmem>>) target(%dma_start3A_330 : memref<10240x16xf32, #tpu.memory_space<vmem_shared>>) offsets(%dma_start3A_327 : memref<80xi32, #tpu.memory_space<vmem>>) semaphore(%arg19 : memref<!tpu.dma_semaphore, #tpu.memory_space<semaphore_mem>>) {add = true}
        %ge3A_331 = arith.constant 2 : i32
        %ge3A_332 = arith.cmpi sge, %add3A_308, %ge3A_331 : i32
        %convert_element_type3A_333 = arith.extui %ge3A_332 : i1 to i32
        %cond3A_334 = arith.constant 0 : i32
        %cond3A_335 = arith.cmpi ne, %convert_element_type3A_333, %cond3A_334 : i32
        scf.if %cond3A_335 {
          %sub3A = arith.constant 2 : i32
          %sub3A_436 = arith.subi %add3A_308, %sub3A : i32
          %dma_wait3A_437 = arith.constant 0 : i32
          %dma_wait3A_438 = tpu.memref_slice %arg7[%sub3A_436, %dma_wait3A_437] : memref<250x80xi32, #tpu.memory_space<vmem>> -> memref<1x80xi32, #tpu.memory_space<vmem>>
          %dma_wait3A_439 = tpu.memref_squeeze %dma_wait3A_438 : memref<1x80xi32, #tpu.memory_space<vmem>> -> memref<80xi32, #tpu.memory_space<vmem>>
          %dma_wait3A_440 = arith.constant 0 : i32
          %dma_wait3A_441 = arith.constant 0 : i32
          %dma_wait3A_442 = tpu.memref_slice %arg15[%dma_wait3A_440, %dma_wait3A_441] : memref<10240x64xf32, #tpu.memory_space<vmem_shared>> -> memref<10240x64xf32, #tpu.memory_space<vmem_shared>>
          tpu.wait_indirect_dma semaphore(%arg18 : memref<!tpu.dma_semaphore, #tpu.memory_space<semaphore_mem>>) src(%arg11 : memref<80x64xf32, #tpu.memory_space<vmem>>) dst(%dma_wait3A_442 : memref<10240x64xf32, #tpu.memory_space<vmem_shared>>)
          %sub3A_443 = arith.constant 2 : i32
          %sub3A_444 = arith.subi %add3A_308, %sub3A_443 : i32
          %dma_wait3A_445 = arith.constant 0 : i32
          %dma_wait3A_446 = tpu.memref_slice %arg7[%sub3A_444, %dma_wait3A_445] : memref<250x80xi32, #tpu.memory_space<vmem>> -> memref<1x80xi32, #tpu.memory_space<vmem>>
          %dma_wait3A_447 = tpu.memref_squeeze %dma_wait3A_446 : memref<1x80xi32, #tpu.memory_space<vmem>> -> memref<80xi32, #tpu.memory_space<vmem>>
          %dma_wait3A_448 = arith.constant 0 : i32
          %dma_wait3A_449 = arith.constant 0 : i32
          %dma_wait3A_450 = tpu.memref_slice %arg16[%dma_wait3A_448, %dma_wait3A_449] : memref<10240x16xf32, #tpu.memory_space<vmem_shared>> -> memref<10240x16xf32, #tpu.memory_space<vmem_shared>>
          tpu.wait_indirect_dma semaphore(%arg19 : memref<!tpu.dma_semaphore, #tpu.memory_space<semaphore_mem>>) src(%arg12 : memref<80x16xf32, #tpu.memory_space<vmem>>) dst(%dma_wait3A_450 : memref<10240x16xf32, #tpu.memory_space<vmem_shared>>)
        } else {
        }
        %add3A_336 = arith.constant 2 : i32
        %add3A_337 = arith.addi %add3A_308, %add3A_336 : i32
        %min3A_338 = arith.constant 249 : i32
        %min3A_339 = arith.minsi %add3A_337, %min3A_338 : i32
        %dma_start3A_340 = arith.constant 0 : i32
        %dma_start3A_341 = tpu.memref_slice %arg6[%min3A_339, %dma_start3A_340] : memref<250x80xi32, #tpu.memory_space<vmem>> -> memref<1x80xi32, #tpu.memory_space<vmem>>
        %dma_start3A_342 = tpu.memref_squeeze %dma_start3A_341 : memref<1x80xi32, #tpu.memory_space<vmem>> -> memref<80xi32, #tpu.memory_space<vmem>>
        %dma_start3A_343 = arith.constant 0 : i32
        %dma_start3A_344 = arith.constant 0 : i32
        %dma_start3A_345 = tpu.memref_slice %arg3[%scan3A_110, %dma_start3A_343, %dma_start3A_344] : memref<2x10000x64xf32, #tpu.memory_space<hbm>> -> memref<1x10000x64xf32, #tpu.memory_space<hbm>>
        %dma_start3A_346 = tpu.memref_squeeze %dma_start3A_345 : memref<1x10000x64xf32, #tpu.memory_space<hbm>> -> memref<10000x64xf32, #tpu.memory_space<hbm>>
        %dma_start3A_347 = arith.constant 0 : i32
        %dma_start3A_348 = arith.constant 0 : i32
        %dma_start3A_349 = tpu.memref_slice %dma_start3A_346[%dma_start3A_347, %dma_start3A_348] : memref<10000x64xf32, #tpu.memory_space<hbm>> -> memref<10000x64xf32, #tpu.memory_space<hbm>>
        tpu.enqueue_indirect_dma source(%dma_start3A_349 : memref<10000x64xf32, #tpu.memory_space<hbm>>) target(%arg11 : memref<80x64xf32, #tpu.memory_space<vmem>>) offsets(%dma_start3A_342 : memref<80xi32, #tpu.memory_space<vmem>>) semaphore(%arg17 : memref<!tpu.dma_semaphore, #tpu.memory_space<semaphore_mem>>)
        %add3A_350 = arith.constant 2 : i32
        %add3A_351 = arith.addi %mul3A_265, %add3A_350 : i32
        %dma_wait3A_352 = arith.constant 0 : i32
        %dma_wait3A_353 = tpu.memref_slice %arg6[%add3A_351, %dma_wait3A_352] : memref<250x80xi32, #tpu.memory_space<vmem>> -> memref<1x80xi32, #tpu.memory_space<vmem>>
        %dma_wait3A_354 = tpu.memref_squeeze %dma_wait3A_353 : memref<1x80xi32, #tpu.memory_space<vmem>> -> memref<80xi32, #tpu.memory_space<vmem>>
        %dma_wait3A_355 = arith.constant 0 : i32
        %dma_wait3A_356 = arith.constant 0 : i32
        %dma_wait3A_357 = tpu.memref_slice %arg3[%scan3A_110, %dma_wait3A_355, %dma_wait3A_356] : memref<2x10000x64xf32, #tpu.memory_space<hbm>> -> memref<1x10000x64xf32, #tpu.memory_space<hbm>>
        %dma_wait3A_358 = tpu.memref_squeeze %dma_wait3A_357 : memref<1x10000x64xf32, #tpu.memory_space<hbm>> -> memref<10000x64xf32, #tpu.memory_space<hbm>>
        %dma_wait3A_359 = arith.constant 0 : i32
        %dma_wait3A_360 = arith.constant 0 : i32
        %dma_wait3A_361 = tpu.memref_slice %dma_wait3A_358[%dma_wait3A_359, %dma_wait3A_360] : memref<10000x64xf32, #tpu.memory_space<hbm>> -> memref<10000x64xf32, #tpu.memory_space<hbm>>
        tpu.wait_indirect_dma semaphore(%arg17 : memref<!tpu.dma_semaphore, #tpu.memory_space<semaphore_mem>>) src(%dma_wait3A_361 : memref<10000x64xf32, #tpu.memory_space<hbm>>) dst(%arg10 : memref<80x64xf32, #tpu.memory_space<vmem>>)
        %dma_start3A_362 = arith.constant 0 : i32
        %dma_start3A_363 = tpu.memref_slice %arg7[%add3A_351, %dma_start3A_362] : memref<250x80xi32, #tpu.memory_space<vmem>> -> memref<1x80xi32, #tpu.memory_space<vmem>>
        %dma_start3A_364 = tpu.memref_squeeze %dma_start3A_363 : memref<1x80xi32, #tpu.memory_space<vmem>> -> memref<80xi32, #tpu.memory_space<vmem>>
        %dma_start3A_365 = arith.constant 0 : i32
        %dma_start3A_366 = arith.constant 0 : i32
        %dma_start3A_367 = tpu.memref_slice %arg15[%dma_start3A_365, %dma_start3A_366] : memref<10240x64xf32, #tpu.memory_space<vmem_shared>> -> memref<10240x64xf32, #tpu.memory_space<vmem_shared>>
        tpu.enqueue_indirect_dma source(%arg10 : memref<80x64xf32, #tpu.memory_space<vmem>>) target(%dma_start3A_367 : memref<10240x64xf32, #tpu.memory_space<vmem_shared>>) offsets(%dma_start3A_364 : memref<80xi32, #tpu.memory_space<vmem>>) semaphore(%arg18 : memref<!tpu.dma_semaphore, #tpu.memory_space<semaphore_mem>>) {add = true}
        %dma_start3A_368 = arith.constant 0 : i32
        %dma_start3A_369 = tpu.memref_slice %arg7[%add3A_351, %dma_start3A_368] : memref<250x80xi32, #tpu.memory_space<vmem>> -> memref<1x80xi32, #tpu.memory_space<vmem>>
        %dma_start3A_370 = tpu.memref_squeeze %dma_start3A_369 : memref<1x80xi32, #tpu.memory_space<vmem>> -> memref<80xi32, #tpu.memory_space<vmem>>
        %dma_start3A_371 = arith.constant 0 : i32
        %dma_start3A_372 = arith.constant 0 : i32
        %dma_start3A_373 = tpu.memref_slice %arg16[%dma_start3A_371, %dma_start3A_372] : memref<10240x16xf32, #tpu.memory_space<vmem_shared>> -> memref<10240x16xf32, #tpu.memory_space<vmem_shared>>
        tpu.enqueue_indirect_dma source(%arg12 : memref<80x16xf32, #tpu.memory_space<vmem>>) target(%dma_start3A_373 : memref<10240x16xf32, #tpu.memory_space<vmem_shared>>) offsets(%dma_start3A_370 : memref<80xi32, #tpu.memory_space<vmem>>) semaphore(%arg19 : memref<!tpu.dma_semaphore, #tpu.memory_space<semaphore_mem>>) {add = true}
        %ge3A_374 = arith.constant 2 : i32
        %ge3A_375 = arith.cmpi sge, %add3A_351, %ge3A_374 : i32
        %convert_element_type3A_376 = arith.extui %ge3A_375 : i1 to i32
        %cond3A_377 = arith.constant 0 : i32
        %cond3A_378 = arith.cmpi ne, %convert_element_type3A_376, %cond3A_377 : i32
        scf.if %cond3A_378 {
          %sub3A = arith.constant 2 : i32
          %sub3A_436 = arith.subi %add3A_351, %sub3A : i32
          %dma_wait3A_437 = arith.constant 0 : i32
          %dma_wait3A_438 = tpu.memref_slice %arg7[%sub3A_436, %dma_wait3A_437] : memref<250x80xi32, #tpu.memory_space<vmem>> -> memref<1x80xi32, #tpu.memory_space<vmem>>
          %dma_wait3A_439 = tpu.memref_squeeze %dma_wait3A_438 : memref<1x80xi32, #tpu.memory_space<vmem>> -> memref<80xi32, #tpu.memory_space<vmem>>
          %dma_wait3A_440 = arith.constant 0 : i32
          %dma_wait3A_441 = arith.constant 0 : i32
          %dma_wait3A_442 = tpu.memref_slice %arg15[%dma_wait3A_440, %dma_wait3A_441] : memref<10240x64xf32, #tpu.memory_space<vmem_shared>> -> memref<10240x64xf32, #tpu.memory_space<vmem_shared>>
          tpu.wait_indirect_dma semaphore(%arg18 : memref<!tpu.dma_semaphore, #tpu.memory_space<semaphore_mem>>) src(%arg8 : memref<80x64xf32, #tpu.memory_space<vmem>>) dst(%dma_wait3A_442 : memref<10240x64xf32, #tpu.memory_space<vmem_shared>>)
          %sub3A_443 = arith.constant 2 : i32
          %sub3A_444 = arith.subi %add3A_351, %sub3A_443 : i32
          %dma_wait3A_445 = arith.constant 0 : i32
          %dma_wait3A_446 = tpu.memref_slice %arg7[%sub3A_444, %dma_wait3A_445] : memref<250x80xi32, #tpu.memory_space<vmem>> -> memref<1x80xi32, #tpu.memory_space<vmem>>
          %dma_wait3A_447 = tpu.memref_squeeze %dma_wait3A_446 : memref<1x80xi32, #tpu.memory_space<vmem>> -> memref<80xi32, #tpu.memory_space<vmem>>
          %dma_wait3A_448 = arith.constant 0 : i32
          %dma_wait3A_449 = arith.constant 0 : i32
          %dma_wait3A_450 = tpu.memref_slice %arg16[%dma_wait3A_448, %dma_wait3A_449] : memref<10240x16xf32, #tpu.memory_space<vmem_shared>> -> memref<10240x16xf32, #tpu.memory_space<vmem_shared>>
          tpu.wait_indirect_dma semaphore(%arg19 : memref<!tpu.dma_semaphore, #tpu.memory_space<semaphore_mem>>) src(%arg12 : memref<80x16xf32, #tpu.memory_space<vmem>>) dst(%dma_wait3A_450 : memref<10240x16xf32, #tpu.memory_space<vmem_shared>>)
        } else {
        }
        %add3A_379 = arith.constant 2 : i32
        %add3A_380 = arith.addi %add3A_351, %add3A_379 : i32
        %min3A_381 = arith.constant 249 : i32
        %min3A_382 = arith.minsi %add3A_380, %min3A_381 : i32
        %dma_start3A_383 = arith.constant 0 : i32
        %dma_start3A_384 = tpu.memref_slice %arg6[%min3A_382, %dma_start3A_383] : memref<250x80xi32, #tpu.memory_space<vmem>> -> memref<1x80xi32, #tpu.memory_space<vmem>>
        %dma_start3A_385 = tpu.memref_squeeze %dma_start3A_384 : memref<1x80xi32, #tpu.memory_space<vmem>> -> memref<80xi32, #tpu.memory_space<vmem>>
        %dma_start3A_386 = arith.constant 0 : i32
        %dma_start3A_387 = arith.constant 0 : i32
        %dma_start3A_388 = tpu.memref_slice %arg3[%scan3A_110, %dma_start3A_386, %dma_start3A_387] : memref<2x10000x64xf32, #tpu.memory_space<hbm>> -> memref<1x10000x64xf32, #tpu.memory_space<hbm>>
        %dma_start3A_389 = tpu.memref_squeeze %dma_start3A_388 : memref<1x10000x64xf32, #tpu.memory_space<hbm>> -> memref<10000x64xf32, #tpu.memory_space<hbm>>
        %dma_start3A_390 = arith.constant 0 : i32
        %dma_start3A_391 = arith.constant 0 : i32
        %dma_start3A_392 = tpu.memref_slice %dma_start3A_389[%dma_start3A_390, %dma_start3A_391] : memref<10000x64xf32, #tpu.memory_space<hbm>> -> memref<10000x64xf32, #tpu.memory_space<hbm>>
        tpu.enqueue_indirect_dma source(%dma_start3A_392 : memref<10000x64xf32, #tpu.memory_space<hbm>>) target(%arg8 : memref<80x64xf32, #tpu.memory_space<vmem>>) offsets(%dma_start3A_385 : memref<80xi32, #tpu.memory_space<vmem>>) semaphore(%arg17 : memref<!tpu.dma_semaphore, #tpu.memory_space<semaphore_mem>>)
        %add3A_393 = arith.constant 3 : i32
        %add3A_394 = arith.addi %mul3A_265, %add3A_393 : i32
        %dma_wait3A_395 = arith.constant 0 : i32
        %dma_wait3A_396 = tpu.memref_slice %arg6[%add3A_394, %dma_wait3A_395] : memref<250x80xi32, #tpu.memory_space<vmem>> -> memref<1x80xi32, #tpu.memory_space<vmem>>
        %dma_wait3A_397 = tpu.memref_squeeze %dma_wait3A_396 : memref<1x80xi32, #tpu.memory_space<vmem>> -> memref<80xi32, #tpu.memory_space<vmem>>
        %dma_wait3A_398 = arith.constant 0 : i32
        %dma_wait3A_399 = arith.constant 0 : i32
        %dma_wait3A_400 = tpu.memref_slice %arg3[%scan3A_110, %dma_wait3A_398, %dma_wait3A_399] : memref<2x10000x64xf32, #tpu.memory_space<hbm>> -> memref<1x10000x64xf32, #tpu.memory_space<hbm>>
        %dma_wait3A_401 = tpu.memref_squeeze %dma_wait3A_400 : memref<1x10000x64xf32, #tpu.memory_space<hbm>> -> memref<10000x64xf32, #tpu.memory_space<hbm>>
        %dma_wait3A_402 = arith.constant 0 : i32
        %dma_wait3A_403 = arith.constant 0 : i32
        %dma_wait3A_404 = tpu.memref_slice %dma_wait3A_401[%dma_wait3A_402, %dma_wait3A_403] : memref<10000x64xf32, #tpu.memory_space<hbm>> -> memref<10000x64xf32, #tpu.memory_space<hbm>>
        tpu.wait_indirect_dma semaphore(%arg17 : memref<!tpu.dma_semaphore, #tpu.memory_space<semaphore_mem>>) src(%dma_wait3A_404 : memref<10000x64xf32, #tpu.memory_space<hbm>>) dst(%arg11 : memref<80x64xf32, #tpu.memory_space<vmem>>)
        %dma_start3A_405 = arith.constant 0 : i32
        %dma_start3A_406 = tpu.memref_slice %arg7[%add3A_394, %dma_start3A_405] : memref<250x80xi32, #tpu.memory_space<vmem>> -> memref<1x80xi32, #tpu.memory_space<vmem>>
        %dma_start3A_407 = tpu.memref_squeeze %dma_start3A_406 : memref<1x80xi32, #tpu.memory_space<vmem>> -> memref<80xi32, #tpu.memory_space<vmem>>
        %dma_start3A_408 = arith.constant 0 : i32
        %dma_start3A_409 = arith.constant 0 : i32
        %dma_start3A_410 = tpu.memref_slice %arg15[%dma_start3A_408, %dma_start3A_409] : memref<10240x64xf32, #tpu.memory_space<vmem_shared>> -> memref<10240x64xf32, #tpu.memory_space<vmem_shared>>
        tpu.enqueue_indirect_dma source(%arg11 : memref<80x64xf32, #tpu.memory_space<vmem>>) target(%dma_start3A_410 : memref<10240x64xf32, #tpu.memory_space<vmem_shared>>) offsets(%dma_start3A_407 : memref<80xi32, #tpu.memory_space<vmem>>) semaphore(%arg18 : memref<!tpu.dma_semaphore, #tpu.memory_space<semaphore_mem>>) {add = true}
        %dma_start3A_411 = arith.constant 0 : i32
        %dma_start3A_412 = tpu.memref_slice %arg7[%add3A_394, %dma_start3A_411] : memref<250x80xi32, #tpu.memory_space<vmem>> -> memref<1x80xi32, #tpu.memory_space<vmem>>
        %dma_start3A_413 = tpu.memref_squeeze %dma_start3A_412 : memref<1x80xi32, #tpu.memory_space<vmem>> -> memref<80xi32, #tpu.memory_space<vmem>>
        %dma_start3A_414 = arith.constant 0 : i32
        %dma_start3A_415 = arith.constant 0 : i32
        %dma_start3A_416 = tpu.memref_slice %arg16[%dma_start3A_414, %dma_start3A_415] : memref<10240x16xf32, #tpu.memory_space<vmem_shared>> -> memref<10240x16xf32, #tpu.memory_space<vmem_shared>>
        tpu.enqueue_indirect_dma source(%arg12 : memref<80x16xf32, #tpu.memory_space<vmem>>) target(%dma_start3A_416 : memref<10240x16xf32, #tpu.memory_space<vmem_shared>>) offsets(%dma_start3A_413 : memref<80xi32, #tpu.memory_space<vmem>>) semaphore(%arg19 : memref<!tpu.dma_semaphore, #tpu.memory_space<semaphore_mem>>) {add = true}
        %ge3A_417 = arith.constant 2 : i32
        %ge3A_418 = arith.cmpi sge, %add3A_394, %ge3A_417 : i32
        %convert_element_type3A_419 = arith.extui %ge3A_418 : i1 to i32
        %cond3A_420 = arith.constant 0 : i32
        %cond3A_421 = arith.cmpi ne, %convert_element_type3A_419, %cond3A_420 : i32
        scf.if %cond3A_421 {
          %sub3A = arith.constant 2 : i32
          %sub3A_436 = arith.subi %add3A_394, %sub3A : i32
          %dma_wait3A_437 = arith.constant 0 : i32
          %dma_wait3A_438 = tpu.memref_slice %arg7[%sub3A_436, %dma_wait3A_437] : memref<250x80xi32, #tpu.memory_space<vmem>> -> memref<1x80xi32, #tpu.memory_space<vmem>>
          %dma_wait3A_439 = tpu.memref_squeeze %dma_wait3A_438 : memref<1x80xi32, #tpu.memory_space<vmem>> -> memref<80xi32, #tpu.memory_space<vmem>>
          %dma_wait3A_440 = arith.constant 0 : i32
          %dma_wait3A_441 = arith.constant 0 : i32
          %dma_wait3A_442 = tpu.memref_slice %arg15[%dma_wait3A_440, %dma_wait3A_441] : memref<10240x64xf32, #tpu.memory_space<vmem_shared>> -> memref<10240x64xf32, #tpu.memory_space<vmem_shared>>
          tpu.wait_indirect_dma semaphore(%arg18 : memref<!tpu.dma_semaphore, #tpu.memory_space<semaphore_mem>>) src(%arg9 : memref<80x64xf32, #tpu.memory_space<vmem>>) dst(%dma_wait3A_442 : memref<10240x64xf32, #tpu.memory_space<vmem_shared>>)
          %sub3A_443 = arith.constant 2 : i32
          %sub3A_444 = arith.subi %add3A_394, %sub3A_443 : i32
          %dma_wait3A_445 = arith.constant 0 : i32
          %dma_wait3A_446 = tpu.memref_slice %arg7[%sub3A_444, %dma_wait3A_445] : memref<250x80xi32, #tpu.memory_space<vmem>> -> memref<1x80xi32, #tpu.memory_space<vmem>>
          %dma_wait3A_447 = tpu.memref_squeeze %dma_wait3A_446 : memref<1x80xi32, #tpu.memory_space<vmem>> -> memref<80xi32, #tpu.memory_space<vmem>>
          %dma_wait3A_448 = arith.constant 0 : i32
          %dma_wait3A_449 = arith.constant 0 : i32
          %dma_wait3A_450 = tpu.memref_slice %arg16[%dma_wait3A_448, %dma_wait3A_449] : memref<10240x16xf32, #tpu.memory_space<vmem_shared>> -> memref<10240x16xf32, #tpu.memory_space<vmem_shared>>
          tpu.wait_indirect_dma semaphore(%arg19 : memref<!tpu.dma_semaphore, #tpu.memory_space<semaphore_mem>>) src(%arg12 : memref<80x16xf32, #tpu.memory_space<vmem>>) dst(%dma_wait3A_450 : memref<10240x16xf32, #tpu.memory_space<vmem_shared>>)
        } else {
        }
        %add3A_422 = arith.constant 2 : i32
        %add3A_423 = arith.addi %add3A_394, %add3A_422 : i32
        %min3A_424 = arith.constant 249 : i32
        %min3A_425 = arith.minsi %add3A_423, %min3A_424 : i32
        %dma_start3A_426 = arith.constant 0 : i32
        %dma_start3A_427 = tpu.memref_slice %arg6[%min3A_425, %dma_start3A_426] : memref<250x80xi32, #tpu.memory_space<vmem>> -> memref<1x80xi32, #tpu.memory_space<vmem>>
        %dma_start3A_428 = tpu.memref_squeeze %dma_start3A_427 : memref<1x80xi32, #tpu.memory_space<vmem>> -> memref<80xi32, #tpu.memory_space<vmem>>
        %dma_start3A_429 = arith.constant 0 : i32
        %dma_start3A_430 = arith.constant 0 : i32
        %dma_start3A_431 = tpu.memref_slice %arg3[%scan3A_110, %dma_start3A_429, %dma_start3A_430] : memref<2x10000x64xf32, #tpu.memory_space<hbm>> -> memref<1x10000x64xf32, #tpu.memory_space<hbm>>
        %dma_start3A_432 = tpu.memref_squeeze %dma_start3A_431 : memref<1x10000x64xf32, #tpu.memory_space<hbm>> -> memref<10000x64xf32, #tpu.memory_space<hbm>>
        %dma_start3A_433 = arith.constant 0 : i32
        %dma_start3A_434 = arith.constant 0 : i32
        %dma_start3A_435 = tpu.memref_slice %dma_start3A_432[%dma_start3A_433, %dma_start3A_434] : memref<10000x64xf32, #tpu.memory_space<hbm>> -> memref<10000x64xf32, #tpu.memory_space<hbm>>
        tpu.enqueue_indirect_dma source(%dma_start3A_435 : memref<10000x64xf32, #tpu.memory_space<hbm>>) target(%arg9 : memref<80x64xf32, #tpu.memory_space<vmem>>) offsets(%dma_start3A_428 : memref<80xi32, #tpu.memory_space<vmem>>) semaphore(%arg17 : memref<!tpu.dma_semaphore, #tpu.memory_space<semaphore_mem>>)
      }
      %scan3A_115 = arith.constant 62 : i32
      %dma_wait3A_116 = arith.constant 0 : i32
      %dma_wait3A_117 = arith.constant 248 : i32
      %dma_wait3A_118 = arith.constant 0 : i32
      %dma_wait3A_119 = tpu.memref_slice %arg6[%dma_wait3A_117, %dma_wait3A_118] : memref<250x80xi32, #tpu.memory_space<vmem>> -> memref<1x80xi32, #tpu.memory_space<vmem>>
      %dma_wait3A_120 = tpu.memref_squeeze %dma_wait3A_119 : memref<1x80xi32, #tpu.memory_space<vmem>> -> memref<80xi32, #tpu.memory_space<vmem>>
      %dma_wait3A_121 = arith.constant 0 : i32
      %dma_wait3A_122 = arith.constant 0 : i32
      %dma_wait3A_123 = tpu.memref_slice %arg3[%dma_wait3A_116, %dma_wait3A_121, %dma_wait3A_122] : memref<2x10000x64xf32, #tpu.memory_space<hbm>> -> memref<1x10000x64xf32, #tpu.memory_space<hbm>>
      %dma_wait3A_124 = tpu.memref_squeeze %dma_wait3A_123 : memref<1x10000x64xf32, #tpu.memory_space<hbm>> -> memref<10000x64xf32, #tpu.memory_space<hbm>>
      %dma_wait3A_125 = arith.constant 0 : i32
      %dma_wait3A_126 = arith.constant 0 : i32
      %dma_wait3A_127 = tpu.memref_slice %dma_wait3A_124[%dma_wait3A_125, %dma_wait3A_126] : memref<10000x64xf32, #tpu.memory_space<hbm>> -> memref<10000x64xf32, #tpu.memory_space<hbm>>
      tpu.wait_indirect_dma semaphore(%arg17 : memref<!tpu.dma_semaphore, #tpu.memory_space<semaphore_mem>>) src(%dma_wait3A_127 : memref<10000x64xf32, #tpu.memory_space<hbm>>) dst(%arg8 : memref<80x64xf32, #tpu.memory_space<vmem>>)
      %dma_start3A_128 = arith.constant 248 : i32
      %dma_start3A_129 = arith.constant 0 : i32
      %dma_start3A_130 = tpu.memref_slice %arg7[%dma_start3A_128, %dma_start3A_129] : memref<250x80xi32, #tpu.memory_space<vmem>> -> memref<1x80xi32, #tpu.memory_space<vmem>>
      %dma_start3A_131 = tpu.memref_squeeze %dma_start3A_130 : memref<1x80xi32, #tpu.memory_space<vmem>> -> memref<80xi32, #tpu.memory_space<vmem>>
      %dma_start3A_132 = arith.constant 0 : i32
      %dma_start3A_133 = arith.constant 0 : i32
      %dma_start3A_134 = tpu.memref_slice %arg15[%dma_start3A_132, %dma_start3A_133] : memref<10240x64xf32, #tpu.memory_space<vmem_shared>> -> memref<10240x64xf32, #tpu.memory_space<vmem_shared>>
      tpu.enqueue_indirect_dma source(%arg8 : memref<80x64xf32, #tpu.memory_space<vmem>>) target(%dma_start3A_134 : memref<10240x64xf32, #tpu.memory_space<vmem_shared>>) offsets(%dma_start3A_131 : memref<80xi32, #tpu.memory_space<vmem>>) semaphore(%arg18 : memref<!tpu.dma_semaphore, #tpu.memory_space<semaphore_mem>>) {add = true}
      %dma_start3A_135 = arith.constant 248 : i32
      %dma_start3A_136 = arith.constant 0 : i32
      %dma_start3A_137 = tpu.memref_slice %arg7[%dma_start3A_135, %dma_start3A_136] : memref<250x80xi32, #tpu.memory_space<vmem>> -> memref<1x80xi32, #tpu.memory_space<vmem>>
      %dma_start3A_138 = tpu.memref_squeeze %dma_start3A_137 : memref<1x80xi32, #tpu.memory_space<vmem>> -> memref<80xi32, #tpu.memory_space<vmem>>
      %dma_start3A_139 = arith.constant 0 : i32
      %dma_start3A_140 = arith.constant 0 : i32
      %dma_start3A_141 = tpu.memref_slice %arg16[%dma_start3A_139, %dma_start3A_140] : memref<10240x16xf32, #tpu.memory_space<vmem_shared>> -> memref<10240x16xf32, #tpu.memory_space<vmem_shared>>
      tpu.enqueue_indirect_dma source(%arg12 : memref<80x16xf32, #tpu.memory_space<vmem>>) target(%dma_start3A_141 : memref<10240x16xf32, #tpu.memory_space<vmem_shared>>) offsets(%dma_start3A_138 : memref<80xi32, #tpu.memory_space<vmem>>) semaphore(%arg19 : memref<!tpu.dma_semaphore, #tpu.memory_space<semaphore_mem>>) {add = true}
      %ge3A = arith.constant 248 : i32
      %ge3A_142 = arith.constant 2 : i32
      %ge3A_143 = arith.cmpi sge, %ge3A, %ge3A_142 : i32
      %convert_element_type3A_144 = arith.extui %ge3A_143 : i1 to i32
      %cond3A_145 = arith.constant 248 : i32
      %cond3A_146 = arith.constant 0 : i32
      %cond3A_147 = arith.cmpi ne, %convert_element_type3A_144, %cond3A_146 : i32
      scf.if %cond3A_147 {
        %sub3A = arith.constant 2 : i32
        %sub3A_263 = arith.subi %cond3A_145, %sub3A : i32
        %dma_wait3A_264 = arith.constant 0 : i32
        %dma_wait3A_265 = tpu.memref_slice %arg7[%sub3A_263, %dma_wait3A_264] : memref<250x80xi32, #tpu.memory_space<vmem>> -> memref<1x80xi32, #tpu.memory_space<vmem>>
        %dma_wait3A_266 = tpu.memref_squeeze %dma_wait3A_265 : memref<1x80xi32, #tpu.memory_space<vmem>> -> memref<80xi32, #tpu.memory_space<vmem>>
        %dma_wait3A_267 = arith.constant 0 : i32
        %dma_wait3A_268 = arith.constant 0 : i32
        %dma_wait3A_269 = tpu.memref_slice %arg15[%dma_wait3A_267, %dma_wait3A_268] : memref<10240x64xf32, #tpu.memory_space<vmem_shared>> -> memref<10240x64xf32, #tpu.memory_space<vmem_shared>>
        tpu.wait_indirect_dma semaphore(%arg18 : memref<!tpu.dma_semaphore, #tpu.memory_space<semaphore_mem>>) src(%arg10 : memref<80x64xf32, #tpu.memory_space<vmem>>) dst(%dma_wait3A_269 : memref<10240x64xf32, #tpu.memory_space<vmem_shared>>)
        %sub3A_270 = arith.constant 2 : i32
        %sub3A_271 = arith.subi %cond3A_145, %sub3A_270 : i32
        %dma_wait3A_272 = arith.constant 0 : i32
        %dma_wait3A_273 = tpu.memref_slice %arg7[%sub3A_271, %dma_wait3A_272] : memref<250x80xi32, #tpu.memory_space<vmem>> -> memref<1x80xi32, #tpu.memory_space<vmem>>
        %dma_wait3A_274 = tpu.memref_squeeze %dma_wait3A_273 : memref<1x80xi32, #tpu.memory_space<vmem>> -> memref<80xi32, #tpu.memory_space<vmem>>
        %dma_wait3A_275 = arith.constant 0 : i32
        %dma_wait3A_276 = arith.constant 0 : i32
        %dma_wait3A_277 = tpu.memref_slice %arg16[%dma_wait3A_275, %dma_wait3A_276] : memref<10240x16xf32, #tpu.memory_space<vmem_shared>> -> memref<10240x16xf32, #tpu.memory_space<vmem_shared>>
        tpu.wait_indirect_dma semaphore(%arg19 : memref<!tpu.dma_semaphore, #tpu.memory_space<semaphore_mem>>) src(%arg12 : memref<80x16xf32, #tpu.memory_space<vmem>>) dst(%dma_wait3A_277 : memref<10240x16xf32, #tpu.memory_space<vmem_shared>>)
      } else {
      }
      %add3A = arith.constant 248 : i32
      %add3A_148 = arith.constant 2 : i32
      %add3A_149 = arith.addi %add3A, %add3A_148 : i32
      %min3A = arith.constant 249 : i32
      %min3A_150 = arith.minsi %add3A_149, %min3A : i32
      %dma_start3A_151 = arith.constant 0 : i32
      %dma_start3A_152 = arith.constant 0 : i32
      %dma_start3A_153 = tpu.memref_slice %arg6[%min3A_150, %dma_start3A_152] : memref<250x80xi32, #tpu.memory_space<vmem>> -> memref<1x80xi32, #tpu.memory_space<vmem>>
      %dma_start3A_154 = tpu.memref_squeeze %dma_start3A_153 : memref<1x80xi32, #tpu.memory_space<vmem>> -> memref<80xi32, #tpu.memory_space<vmem>>
      %dma_start3A_155 = arith.constant 0 : i32
      %dma_start3A_156 = arith.constant 0 : i32
      %dma_start3A_157 = tpu.memref_slice %arg3[%dma_start3A_151, %dma_start3A_155, %dma_start3A_156] : memref<2x10000x64xf32, #tpu.memory_space<hbm>> -> memref<1x10000x64xf32, #tpu.memory_space<hbm>>
      %dma_start3A_158 = tpu.memref_squeeze %dma_start3A_157 : memref<1x10000x64xf32, #tpu.memory_space<hbm>> -> memref<10000x64xf32, #tpu.memory_space<hbm>>
      %dma_start3A_159 = arith.constant 0 : i32
      %dma_start3A_160 = arith.constant 0 : i32
      %dma_start3A_161 = tpu.memref_slice %dma_start3A_158[%dma_start3A_159, %dma_start3A_160] : memref<10000x64xf32, #tpu.memory_space<hbm>> -> memref<10000x64xf32, #tpu.memory_space<hbm>>
      tpu.enqueue_indirect_dma source(%dma_start3A_161 : memref<10000x64xf32, #tpu.memory_space<hbm>>) target(%arg10 : memref<80x64xf32, #tpu.memory_space<vmem>>) offsets(%dma_start3A_154 : memref<80xi32, #tpu.memory_space<vmem>>) semaphore(%arg17 : memref<!tpu.dma_semaphore, #tpu.memory_space<semaphore_mem>>)
      %dma_wait3A_162 = arith.constant 0 : i32
      %dma_wait3A_163 = arith.constant 249 : i32
      %dma_wait3A_164 = arith.constant 0 : i32
      %dma_wait3A_165 = tpu.memref_slice %arg6[%dma_wait3A_163, %dma_wait3A_164] : memref<250x80xi32, #tpu.memory_space<vmem>> -> memref<1x80xi32, #tpu.memory_space<vmem>>
      %dma_wait3A_166 = tpu.memref_squeeze %dma_wait3A_165 : memref<1x80xi32, #tpu.memory_space<vmem>> -> memref<80xi32, #tpu.memory_space<vmem>>
      %dma_wait3A_167 = arith.constant 0 : i32
      %dma_wait3A_168 = arith.constant 0 : i32
      %dma_wait3A_169 = tpu.memref_slice %arg3[%dma_wait3A_162, %dma_wait3A_167, %dma_wait3A_168] : memref<2x10000x64xf32, #tpu.memory_space<hbm>> -> memref<1x10000x64xf32, #tpu.memory_space<hbm>>
      %dma_wait3A_170 = tpu.memref_squeeze %dma_wait3A_169 : memref<1x10000x64xf32, #tpu.memory_space<hbm>> -> memref<10000x64xf32, #tpu.memory_space<hbm>>
      %dma_wait3A_171 = arith.constant 0 : i32
      %dma_wait3A_172 = arith.constant 0 : i32
      %dma_wait3A_173 = tpu.memref_slice %dma_wait3A_170[%dma_wait3A_171, %dma_wait3A_172] : memref<10000x64xf32, #tpu.memory_space<hbm>> -> memref<10000x64xf32, #tpu.memory_space<hbm>>
      tpu.wait_indirect_dma semaphore(%arg17 : memref<!tpu.dma_semaphore, #tpu.memory_space<semaphore_mem>>) src(%dma_wait3A_173 : memref<10000x64xf32, #tpu.memory_space<hbm>>) dst(%arg9 : memref<80x64xf32, #tpu.memory_space<vmem>>)
      %dma_start3A_174 = arith.constant 249 : i32
      %dma_start3A_175 = arith.constant 0 : i32
      %dma_start3A_176 = tpu.memref_slice %arg7[%dma_start3A_174, %dma_start3A_175] : memref<250x80xi32, #tpu.memory_space<vmem>> -> memref<1x80xi32, #tpu.memory_space<vmem>>
      %dma_start3A_177 = tpu.memref_squeeze %dma_start3A_176 : memref<1x80xi32, #tpu.memory_space<vmem>> -> memref<80xi32, #tpu.memory_space<vmem>>
      %dma_start3A_178 = arith.constant 0 : i32
      %dma_start3A_179 = arith.constant 0 : i32
      %dma_start3A_180 = tpu.memref_slice %arg15[%dma_start3A_178, %dma_start3A_179] : memref<10240x64xf32, #tpu.memory_space<vmem_shared>> -> memref<10240x64xf32, #tpu.memory_space<vmem_shared>>
      tpu.enqueue_indirect_dma source(%arg9 : memref<80x64xf32, #tpu.memory_space<vmem>>) target(%dma_start3A_180 : memref<10240x64xf32, #tpu.memory_space<vmem_shared>>) offsets(%dma_start3A_177 : memref<80xi32, #tpu.memory_space<vmem>>) semaphore(%arg18 : memref<!tpu.dma_semaphore, #tpu.memory_space<semaphore_mem>>) {add = true}
      %dma_start3A_181 = arith.constant 249 : i32
      %dma_start3A_182 = arith.constant 0 : i32
      %dma_start3A_183 = tpu.memref_slice %arg7[%dma_start3A_181, %dma_start3A_182] : memref<250x80xi32, #tpu.memory_space<vmem>> -> memref<1x80xi32, #tpu.memory_space<vmem>>
      %dma_start3A_184 = tpu.memref_squeeze %dma_start3A_183 : memref<1x80xi32, #tpu.memory_space<vmem>> -> memref<80xi32, #tpu.memory_space<vmem>>
      %dma_start3A_185 = arith.constant 0 : i32
      %dma_start3A_186 = arith.constant 0 : i32
      %dma_start3A_187 = tpu.memref_slice %arg16[%dma_start3A_185, %dma_start3A_186] : memref<10240x16xf32, #tpu.memory_space<vmem_shared>> -> memref<10240x16xf32, #tpu.memory_space<vmem_shared>>
      tpu.enqueue_indirect_dma source(%arg12 : memref<80x16xf32, #tpu.memory_space<vmem>>) target(%dma_start3A_187 : memref<10240x16xf32, #tpu.memory_space<vmem_shared>>) offsets(%dma_start3A_184 : memref<80xi32, #tpu.memory_space<vmem>>) semaphore(%arg19 : memref<!tpu.dma_semaphore, #tpu.memory_space<semaphore_mem>>) {add = true}
      %ge3A_188 = arith.constant 249 : i32
      %ge3A_189 = arith.constant 2 : i32
      %ge3A_190 = arith.cmpi sge, %ge3A_188, %ge3A_189 : i32
      %convert_element_type3A_191 = arith.extui %ge3A_190 : i1 to i32
      %cond3A_192 = arith.constant 249 : i32
      %cond3A_193 = arith.constant 0 : i32
      %cond3A_194 = arith.cmpi ne, %convert_element_type3A_191, %cond3A_193 : i32
      scf.if %cond3A_194 {
        %sub3A = arith.constant 2 : i32
        %sub3A_263 = arith.subi %cond3A_192, %sub3A : i32
        %dma_wait3A_264 = arith.constant 0 : i32
        %dma_wait3A_265 = tpu.memref_slice %arg7[%sub3A_263, %dma_wait3A_264] : memref<250x80xi32, #tpu.memory_space<vmem>> -> memref<1x80xi32, #tpu.memory_space<vmem>>
        %dma_wait3A_266 = tpu.memref_squeeze %dma_wait3A_265 : memref<1x80xi32, #tpu.memory_space<vmem>> -> memref<80xi32, #tpu.memory_space<vmem>>
        %dma_wait3A_267 = arith.constant 0 : i32
        %dma_wait3A_268 = arith.constant 0 : i32
        %dma_wait3A_269 = tpu.memref_slice %arg15[%dma_wait3A_267, %dma_wait3A_268] : memref<10240x64xf32, #tpu.memory_space<vmem_shared>> -> memref<10240x64xf32, #tpu.memory_space<vmem_shared>>
        tpu.wait_indirect_dma semaphore(%arg18 : memref<!tpu.dma_semaphore, #tpu.memory_space<semaphore_mem>>) src(%arg11 : memref<80x64xf32, #tpu.memory_space<vmem>>) dst(%dma_wait3A_269 : memref<10240x64xf32, #tpu.memory_space<vmem_shared>>)
        %sub3A_270 = arith.constant 2 : i32
        %sub3A_271 = arith.subi %cond3A_192, %sub3A_270 : i32
        %dma_wait3A_272 = arith.constant 0 : i32
        %dma_wait3A_273 = tpu.memref_slice %arg7[%sub3A_271, %dma_wait3A_272] : memref<250x80xi32, #tpu.memory_space<vmem>> -> memref<1x80xi32, #tpu.memory_space<vmem>>
        %dma_wait3A_274 = tpu.memref_squeeze %dma_wait3A_273 : memref<1x80xi32, #tpu.memory_space<vmem>> -> memref<80xi32, #tpu.memory_space<vmem>>
        %dma_wait3A_275 = arith.constant 0 : i32
        %dma_wait3A_276 = arith.constant 0 : i32
        %dma_wait3A_277 = tpu.memref_slice %arg16[%dma_wait3A_275, %dma_wait3A_276] : memref<10240x16xf32, #tpu.memory_space<vmem_shared>> -> memref<10240x16xf32, #tpu.memory_space<vmem_shared>>
        tpu.wait_indirect_dma semaphore(%arg19 : memref<!tpu.dma_semaphore, #tpu.memory_space<semaphore_mem>>) src(%arg12 : memref<80x16xf32, #tpu.memory_space<vmem>>) dst(%dma_wait3A_277 : memref<10240x16xf32, #tpu.memory_space<vmem_shared>>)
      } else {
      }
      %add3A_195 = arith.constant 249 : i32
      %add3A_196 = arith.constant 2 : i32
      %add3A_197 = arith.addi %add3A_195, %add3A_196 : i32
      %min3A_198 = arith.constant 249 : i32
      %min3A_199 = arith.minsi %add3A_197, %min3A_198 : i32
      %dma_start3A_200 = arith.constant 0 : i32
      %dma_start3A_201 = arith.constant 0 : i32
      %dma_start3A_202 = tpu.memref_slice %arg6[%min3A_199, %dma_start3A_201] : memref<250x80xi32, #tpu.memory_space<vmem>> -> memref<1x80xi32, #tpu.memory_space<vmem>>
      %dma_start3A_203 = tpu.memref_squeeze %dma_start3A_202 : memref<1x80xi32, #tpu.memory_space<vmem>> -> memref<80xi32, #tpu.memory_space<vmem>>
      %dma_start3A_204 = arith.constant 0 : i32
      %dma_start3A_205 = arith.constant 0 : i32
      %dma_start3A_206 = tpu.memref_slice %arg3[%dma_start3A_200, %dma_start3A_204, %dma_start3A_205] : memref<2x10000x64xf32, #tpu.memory_space<hbm>> -> memref<1x10000x64xf32, #tpu.memory_space<hbm>>
      %dma_start3A_207 = tpu.memref_squeeze %dma_start3A_206 : memref<1x10000x64xf32, #tpu.memory_space<hbm>> -> memref<10000x64xf32, #tpu.memory_space<hbm>>
      %dma_start3A_208 = arith.constant 0 : i32
      %dma_start3A_209 = arith.constant 0 : i32
      %dma_start3A_210 = tpu.memref_slice %dma_start3A_207[%dma_start3A_208, %dma_start3A_209] : memref<10000x64xf32, #tpu.memory_space<hbm>> -> memref<10000x64xf32, #tpu.memory_space<hbm>>
      tpu.enqueue_indirect_dma source(%dma_start3A_210 : memref<10000x64xf32, #tpu.memory_space<hbm>>) target(%arg11 : memref<80x64xf32, #tpu.memory_space<vmem>>) offsets(%dma_start3A_203 : memref<80xi32, #tpu.memory_space<vmem>>) semaphore(%arg17 : memref<!tpu.dma_semaphore, #tpu.memory_space<semaphore_mem>>)
      %dma_wait3A_211 = arith.constant 248 : i32
      %dma_wait3A_212 = arith.constant 0 : i32
      %dma_wait3A_213 = tpu.memref_slice %arg7[%dma_wait3A_211, %dma_wait3A_212] : memref<250x80xi32, #tpu.memory_space<vmem>> -> memref<1x80xi32, #tpu.memory_space<vmem>>
      %dma_wait3A_214 = tpu.memref_squeeze %dma_wait3A_213 : memref<1x80xi32, #tpu.memory_space<vmem>> -> memref<80xi32, #tpu.memory_space<vmem>>
      %dma_wait3A_215 = arith.constant 0 : i32
      %dma_wait3A_216 = arith.constant 0 : i32
      %dma_wait3A_217 = tpu.memref_slice %arg15[%dma_wait3A_215, %dma_wait3A_216] : memref<10240x64xf32, #tpu.memory_space<vmem_shared>> -> memref<10240x64xf32, #tpu.memory_space<vmem_shared>>
      tpu.wait_indirect_dma semaphore(%arg18 : memref<!tpu.dma_semaphore, #tpu.memory_space<semaphore_mem>>) src(%arg8 : memref<80x64xf32, #tpu.memory_space<vmem>>) dst(%dma_wait3A_217 : memref<10240x64xf32, #tpu.memory_space<vmem_shared>>)
      %dma_wait3A_218 = arith.constant 248 : i32
      %dma_wait3A_219 = arith.constant 0 : i32
      %dma_wait3A_220 = tpu.memref_slice %arg7[%dma_wait3A_218, %dma_wait3A_219] : memref<250x80xi32, #tpu.memory_space<vmem>> -> memref<1x80xi32, #tpu.memory_space<vmem>>
      %dma_wait3A_221 = tpu.memref_squeeze %dma_wait3A_220 : memref<1x80xi32, #tpu.memory_space<vmem>> -> memref<80xi32, #tpu.memory_space<vmem>>
      %dma_wait3A_222 = arith.constant 0 : i32
      %dma_wait3A_223 = arith.constant 0 : i32
      %dma_wait3A_224 = tpu.memref_slice %arg16[%dma_wait3A_222, %dma_wait3A_223] : memref<10240x16xf32, #tpu.memory_space<vmem_shared>> -> memref<10240x16xf32, #tpu.memory_space<vmem_shared>>
      tpu.wait_indirect_dma semaphore(%arg19 : memref<!tpu.dma_semaphore, #tpu.memory_space<semaphore_mem>>) src(%arg12 : memref<80x16xf32, #tpu.memory_space<vmem>>) dst(%dma_wait3A_224 : memref<10240x16xf32, #tpu.memory_space<vmem_shared>>)
      %dma_wait3A_225 = arith.constant 249 : i32
      %dma_wait3A_226 = arith.constant 0 : i32
      %dma_wait3A_227 = tpu.memref_slice %arg7[%dma_wait3A_225, %dma_wait3A_226] : memref<250x80xi32, #tpu.memory_space<vmem>> -> memref<1x80xi32, #tpu.memory_space<vmem>>
      %dma_wait3A_228 = tpu.memref_squeeze %dma_wait3A_227 : memref<1x80xi32, #tpu.memory_space<vmem>> -> memref<80xi32, #tpu.memory_space<vmem>>
      %dma_wait3A_229 = arith.constant 0 : i32
      %dma_wait3A_230 = arith.constant 0 : i32
      %dma_wait3A_231 = tpu.memref_slice %arg15[%dma_wait3A_229, %dma_wait3A_230] : memref<10240x64xf32, #tpu.memory_space<vmem_shared>> -> memref<10240x64xf32, #tpu.memory_space<vmem_shared>>
      tpu.wait_indirect_dma semaphore(%arg18 : memref<!tpu.dma_semaphore, #tpu.memory_space<semaphore_mem>>) src(%arg9 : memref<80x64xf32, #tpu.memory_space<vmem>>) dst(%dma_wait3A_231 : memref<10240x64xf32, #tpu.memory_space<vmem_shared>>)
      %dma_wait3A_232 = arith.constant 249 : i32
      %dma_wait3A_233 = arith.constant 0 : i32
      %dma_wait3A_234 = tpu.memref_slice %arg7[%dma_wait3A_232, %dma_wait3A_233] : memref<250x80xi32, #tpu.memory_space<vmem>> -> memref<1x80xi32, #tpu.memory_space<vmem>>
      %dma_wait3A_235 = tpu.memref_squeeze %dma_wait3A_234 : memref<1x80xi32, #tpu.memory_space<vmem>> -> memref<80xi32, #tpu.memory_space<vmem>>
      %dma_wait3A_236 = arith.constant 0 : i32
      %dma_wait3A_237 = arith.constant 0 : i32
      %dma_wait3A_238 = tpu.memref_slice %arg16[%dma_wait3A_236, %dma_wait3A_237] : memref<10240x16xf32, #tpu.memory_space<vmem_shared>> -> memref<10240x16xf32, #tpu.memory_space<vmem_shared>>
      tpu.wait_indirect_dma semaphore(%arg19 : memref<!tpu.dma_semaphore, #tpu.memory_space<semaphore_mem>>) src(%arg12 : memref<80x16xf32, #tpu.memory_space<vmem>>) dst(%dma_wait3A_238 : memref<10240x16xf32, #tpu.memory_space<vmem_shared>>)
      %dma_wait3A_239 = arith.constant 0 : i32
      %dma_wait3A_240 = arith.constant 249 : i32
      %dma_wait3A_241 = arith.constant 0 : i32
      %dma_wait3A_242 = tpu.memref_slice %arg6[%dma_wait3A_240, %dma_wait3A_241] : memref<250x80xi32, #tpu.memory_space<vmem>> -> memref<1x80xi32, #tpu.memory_space<vmem>>
      %dma_wait3A_243 = tpu.memref_squeeze %dma_wait3A_242 : memref<1x80xi32, #tpu.memory_space<vmem>> -> memref<80xi32, #tpu.memory_space<vmem>>
      %dma_wait3A_244 = arith.constant 0 : i32
      %dma_wait3A_245 = arith.constant 0 : i32
      %dma_wait3A_246 = tpu.memref_slice %arg3[%dma_wait3A_239, %dma_wait3A_244, %dma_wait3A_245] : memref<2x10000x64xf32, #tpu.memory_space<hbm>> -> memref<1x10000x64xf32, #tpu.memory_space<hbm>>
      %dma_wait3A_247 = tpu.memref_squeeze %dma_wait3A_246 : memref<1x10000x64xf32, #tpu.memory_space<hbm>> -> memref<10000x64xf32, #tpu.memory_space<hbm>>
      %dma_wait3A_248 = arith.constant 0 : i32
      %dma_wait3A_249 = arith.constant 0 : i32
      %dma_wait3A_250 = tpu.memref_slice %dma_wait3A_247[%dma_wait3A_248, %dma_wait3A_249] : memref<10000x64xf32, #tpu.memory_space<hbm>> -> memref<10000x64xf32, #tpu.memory_space<hbm>>
      tpu.wait_indirect_dma semaphore(%arg17 : memref<!tpu.dma_semaphore, #tpu.memory_space<semaphore_mem>>) src(%dma_wait3A_250 : memref<10000x64xf32, #tpu.memory_space<hbm>>) dst(%arg10 : memref<80x64xf32, #tpu.memory_space<vmem>>)
      %dma_wait3A_251 = arith.constant 0 : i32
      %dma_wait3A_252 = arith.constant 249 : i32
      %dma_wait3A_253 = arith.constant 0 : i32
      %dma_wait3A_254 = tpu.memref_slice %arg6[%dma_wait3A_252, %dma_wait3A_253] : memref<250x80xi32, #tpu.memory_space<vmem>> -> memref<1x80xi32, #tpu.memory_space<vmem>>
      %dma_wait3A_255 = tpu.memref_squeeze %dma_wait3A_254 : memref<1x80xi32, #tpu.memory_space<vmem>> -> memref<80xi32, #tpu.memory_space<vmem>>
      %dma_wait3A_256 = arith.constant 0 : i32
      %dma_wait3A_257 = arith.constant 0 : i32
      %dma_wait3A_258 = tpu.memref_slice %arg3[%dma_wait3A_251, %dma_wait3A_256, %dma_wait3A_257] : memref<2x10000x64xf32, #tpu.memory_space<hbm>> -> memref<1x10000x64xf32, #tpu.memory_space<hbm>>
      %dma_wait3A_259 = tpu.memref_squeeze %dma_wait3A_258 : memref<1x10000x64xf32, #tpu.memory_space<hbm>> -> memref<10000x64xf32, #tpu.memory_space<hbm>>
      %dma_wait3A_260 = arith.constant 0 : i32
      %dma_wait3A_261 = arith.constant 0 : i32
      %dma_wait3A_262 = tpu.memref_slice %dma_wait3A_259[%dma_wait3A_260, %dma_wait3A_261] : memref<10000x64xf32, #tpu.memory_space<hbm>> -> memref<10000x64xf32, #tpu.memory_space<hbm>>
      tpu.wait_indirect_dma semaphore(%arg17 : memref<!tpu.dma_semaphore, #tpu.memory_space<semaphore_mem>>) src(%dma_wait3A_262 : memref<10000x64xf32, #tpu.memory_space<hbm>>) dst(%arg11 : memref<80x64xf32, #tpu.memory_space<vmem>>)
    } else {
    }
    %eq3A_69 = arith.constant 1 : i32
    %eq3A_70 = arith.cmpi eq, %arg0, %eq3A_69 : i32
    %convert_element_type3A_71 = arith.extui %eq3A_70 : i1 to i32
    %cond3A_72 = arith.constant 0 : i32
    %cond3A_73 = arith.cmpi ne, %convert_element_type3A_71, %cond3A_72 : i32
    scf.if %cond3A_73 {
      %dma_start3A_85 = arith.constant 1 : i32
      %dma_start3A_86 = arith.constant 0 : i32
      %dma_start3A_87 = arith.constant 0 : i32
      %dma_start3A_88 = tpu.memref_slice %arg6[%dma_start3A_86, %dma_start3A_87] : memref<250x80xi32, #tpu.memory_space<vmem>> -> memref<1x80xi32, #tpu.memory_space<vmem>>
      %dma_start3A_89 = tpu.memref_squeeze %dma_start3A_88 : memref<1x80xi32, #tpu.memory_space<vmem>> -> memref<80xi32, #tpu.memory_space<vmem>>
      %dma_start3A_90 = arith.constant 0 : i32
      %dma_start3A_91 = arith.constant 0 : i32
      %dma_start3A_92 = tpu.memref_slice %arg3[%dma_start3A_85, %dma_start3A_90, %dma_start3A_91] : memref<2x10000x64xf32, #tpu.memory_space<hbm>> -> memref<1x10000x64xf32, #tpu.memory_space<hbm>>
      %dma_start3A_93 = tpu.memref_squeeze %dma_start3A_92 : memref<1x10000x64xf32, #tpu.memory_space<hbm>> -> memref<10000x64xf32, #tpu.memory_space<hbm>>
      %dma_start3A_94 = arith.constant 0 : i32
      %dma_start3A_95 = arith.constant 0 : i32
      %dma_start3A_96 = tpu.memref_slice %dma_start3A_93[%dma_start3A_94, %dma_start3A_95] : memref<10000x64xf32, #tpu.memory_space<hbm>> -> memref<10000x64xf32, #tpu.memory_space<hbm>>
      tpu.enqueue_indirect_dma source(%dma_start3A_96 : memref<10000x64xf32, #tpu.memory_space<hbm>>) target(%arg8 : memref<80x64xf32, #tpu.memory_space<vmem>>) offsets(%dma_start3A_89 : memref<80xi32, #tpu.memory_space<vmem>>) semaphore(%arg17 : memref<!tpu.dma_semaphore, #tpu.memory_space<semaphore_mem>>)
      %dma_start3A_97 = arith.constant 1 : i32
      %dma_start3A_98 = arith.constant 1 : i32
      %dma_start3A_99 = arith.constant 0 : i32
      %dma_start3A_100 = tpu.memref_slice %arg6[%dma_start3A_98, %dma_start3A_99] : memref<250x80xi32, #tpu.memory_space<vmem>> -> memref<1x80xi32, #tpu.memory_space<vmem>>
      %dma_start3A_101 = tpu.memref_squeeze %dma_start3A_100 : memref<1x80xi32, #tpu.memory_space<vmem>> -> memref<80xi32, #tpu.memory_space<vmem>>
      %dma_start3A_102 = arith.constant 0 : i32
      %dma_start3A_103 = arith.constant 0 : i32
      %dma_start3A_104 = tpu.memref_slice %arg3[%dma_start3A_97, %dma_start3A_102, %dma_start3A_103] : memref<2x10000x64xf32, #tpu.memory_space<hbm>> -> memref<1x10000x64xf32, #tpu.memory_space<hbm>>
      %dma_start3A_105 = tpu.memref_squeeze %dma_start3A_104 : memref<1x10000x64xf32, #tpu.memory_space<hbm>> -> memref<10000x64xf32, #tpu.memory_space<hbm>>
      %dma_start3A_106 = arith.constant 0 : i32
      %dma_start3A_107 = arith.constant 0 : i32
      %dma_start3A_108 = tpu.memref_slice %dma_start3A_105[%dma_start3A_106, %dma_start3A_107] : memref<10000x64xf32, #tpu.memory_space<hbm>> -> memref<10000x64xf32, #tpu.memory_space<hbm>>
      tpu.enqueue_indirect_dma source(%dma_start3A_108 : memref<10000x64xf32, #tpu.memory_space<hbm>>) target(%arg9 : memref<80x64xf32, #tpu.memory_space<vmem>>) offsets(%dma_start3A_101 : memref<80xi32, #tpu.memory_space<vmem>>) semaphore(%arg17 : memref<!tpu.dma_semaphore, #tpu.memory_space<semaphore_mem>>)
      %scan3A_109 = arith.constant 0 : i32
      %scan3A_110 = arith.constant 1 : i32
      %scan3A_111 = arith.constant 0 : i32
      %scan3A_112 = arith.constant 62 : i32
      %scan3A_113 = arith.addi %scan3A_111, %scan3A_112 : i32
      %scan3A_114 = arith.constant 1 : i32
      scf.for %scan3A_235 = %scan3A_111 to %scan3A_113 step %scan3A_114  : i32 {
        %mul3A_236 = arith.constant 4 : i32
        %mul3A_237 = arith.muli %mul3A_236, %scan3A_235 : i32
        %dma_wait3A_238 = arith.constant 0 : i32
        %dma_wait3A_239 = tpu.memref_slice %arg6[%mul3A_237, %dma_wait3A_238] : memref<250x80xi32, #tpu.memory_space<vmem>> -> memref<1x80xi32, #tpu.memory_space<vmem>>
        %dma_wait3A_240 = tpu.memref_squeeze %dma_wait3A_239 : memref<1x80xi32, #tpu.memory_space<vmem>> -> memref<80xi32, #tpu.memory_space<vmem>>
        %dma_wait3A_241 = arith.constant 0 : i32
        %dma_wait3A_242 = arith.constant 0 : i32
        %dma_wait3A_243 = tpu.memref_slice %arg3[%scan3A_110, %dma_wait3A_241, %dma_wait3A_242] : memref<2x10000x64xf32, #tpu.memory_space<hbm>> -> memref<1x10000x64xf32, #tpu.memory_space<hbm>>
        %dma_wait3A_244 = tpu.memref_squeeze %dma_wait3A_243 : memref<1x10000x64xf32, #tpu.memory_space<hbm>> -> memref<10000x64xf32, #tpu.memory_space<hbm>>
        %dma_wait3A_245 = arith.constant 0 : i32
        %dma_wait3A_246 = arith.constant 0 : i32
        %dma_wait3A_247 = tpu.memref_slice %dma_wait3A_244[%dma_wait3A_245, %dma_wait3A_246] : memref<10000x64xf32, #tpu.memory_space<hbm>> -> memref<10000x64xf32, #tpu.memory_space<hbm>>
        tpu.wait_indirect_dma semaphore(%arg17 : memref<!tpu.dma_semaphore, #tpu.memory_space<semaphore_mem>>) src(%dma_wait3A_247 : memref<10000x64xf32, #tpu.memory_space<hbm>>) dst(%arg8 : memref<80x64xf32, #tpu.memory_space<vmem>>)
        %dma_start3A_248 = arith.constant 0 : i32
        %dma_start3A_249 = tpu.memref_slice %arg7[%mul3A_237, %dma_start3A_248] : memref<250x80xi32, #tpu.memory_space<vmem>> -> memref<1x80xi32, #tpu.memory_space<vmem>>
        %dma_start3A_250 = tpu.memref_squeeze %dma_start3A_249 : memref<1x80xi32, #tpu.memory_space<vmem>> -> memref<80xi32, #tpu.memory_space<vmem>>
        %dma_start3A_251 = arith.constant 0 : i32
        %dma_start3A_252 = arith.constant 0 : i32
        %dma_start3A_253 = tpu.memref_slice %arg15[%dma_start3A_251, %dma_start3A_252] : memref<10240x64xf32, #tpu.memory_space<vmem_shared>> -> memref<10240x64xf32, #tpu.memory_space<vmem_shared>>
        tpu.enqueue_indirect_dma source(%arg8 : memref<80x64xf32, #tpu.memory_space<vmem>>) target(%dma_start3A_253 : memref<10240x64xf32, #tpu.memory_space<vmem_shared>>) offsets(%dma_start3A_250 : memref<80xi32, #tpu.memory_space<vmem>>) semaphore(%arg18 : memref<!tpu.dma_semaphore, #tpu.memory_space<semaphore_mem>>) {add = true}
        %ge3A_254 = arith.constant 2 : i32
        %ge3A_255 = arith.cmpi sge, %mul3A_237, %ge3A_254 : i32
        %convert_element_type3A_256 = arith.extui %ge3A_255 : i1 to i32
        %cond3A_257 = arith.constant 0 : i32
        %cond3A_258 = arith.cmpi ne, %convert_element_type3A_256, %cond3A_257 : i32
        scf.if %cond3A_258 {
          %sub3A = arith.constant 2 : i32
          %sub3A_384 = arith.subi %mul3A_237, %sub3A : i32
          %dma_wait3A_385 = arith.constant 0 : i32
          %dma_wait3A_386 = tpu.memref_slice %arg7[%sub3A_384, %dma_wait3A_385] : memref<250x80xi32, #tpu.memory_space<vmem>> -> memref<1x80xi32, #tpu.memory_space<vmem>>
          %dma_wait3A_387 = tpu.memref_squeeze %dma_wait3A_386 : memref<1x80xi32, #tpu.memory_space<vmem>> -> memref<80xi32, #tpu.memory_space<vmem>>
          %dma_wait3A_388 = arith.constant 0 : i32
          %dma_wait3A_389 = arith.constant 0 : i32
          %dma_wait3A_390 = tpu.memref_slice %arg15[%dma_wait3A_388, %dma_wait3A_389] : memref<10240x64xf32, #tpu.memory_space<vmem_shared>> -> memref<10240x64xf32, #tpu.memory_space<vmem_shared>>
          tpu.wait_indirect_dma semaphore(%arg18 : memref<!tpu.dma_semaphore, #tpu.memory_space<semaphore_mem>>) src(%arg10 : memref<80x64xf32, #tpu.memory_space<vmem>>) dst(%dma_wait3A_390 : memref<10240x64xf32, #tpu.memory_space<vmem_shared>>)
          %sub3A_391 = arith.constant 2 : i32
          %sub3A_392 = arith.subi %mul3A_237, %sub3A_391 : i32
        } else {
        }
        %add3A_259 = arith.constant 2 : i32
        %add3A_260 = arith.addi %mul3A_237, %add3A_259 : i32
        %min3A_261 = arith.constant 249 : i32
        %min3A_262 = arith.minsi %add3A_260, %min3A_261 : i32
        %dma_start3A_263 = arith.constant 0 : i32
        %dma_start3A_264 = tpu.memref_slice %arg6[%min3A_262, %dma_start3A_263] : memref<250x80xi32, #tpu.memory_space<vmem>> -> memref<1x80xi32, #tpu.memory_space<vmem>>
        %dma_start3A_265 = tpu.memref_squeeze %dma_start3A_264 : memref<1x80xi32, #tpu.memory_space<vmem>> -> memref<80xi32, #tpu.memory_space<vmem>>
        %dma_start3A_266 = arith.constant 0 : i32
        %dma_start3A_267 = arith.constant 0 : i32
        %dma_start3A_268 = tpu.memref_slice %arg3[%scan3A_110, %dma_start3A_266, %dma_start3A_267] : memref<2x10000x64xf32, #tpu.memory_space<hbm>> -> memref<1x10000x64xf32, #tpu.memory_space<hbm>>
        %dma_start3A_269 = tpu.memref_squeeze %dma_start3A_268 : memref<1x10000x64xf32, #tpu.memory_space<hbm>> -> memref<10000x64xf32, #tpu.memory_space<hbm>>
        %dma_start3A_270 = arith.constant 0 : i32
        %dma_start3A_271 = arith.constant 0 : i32
        %dma_start3A_272 = tpu.memref_slice %dma_start3A_269[%dma_start3A_270, %dma_start3A_271] : memref<10000x64xf32, #tpu.memory_space<hbm>> -> memref<10000x64xf32, #tpu.memory_space<hbm>>
        tpu.enqueue_indirect_dma source(%dma_start3A_272 : memref<10000x64xf32, #tpu.memory_space<hbm>>) target(%arg10 : memref<80x64xf32, #tpu.memory_space<vmem>>) offsets(%dma_start3A_265 : memref<80xi32, #tpu.memory_space<vmem>>) semaphore(%arg17 : memref<!tpu.dma_semaphore, #tpu.memory_space<semaphore_mem>>)
        %add3A_273 = arith.constant 1 : i32
        %add3A_274 = arith.addi %mul3A_237, %add3A_273 : i32
        %dma_wait3A_275 = arith.constant 0 : i32
        %dma_wait3A_276 = tpu.memref_slice %arg6[%add3A_274, %dma_wait3A_275] : memref<250x80xi32, #tpu.memory_space<vmem>> -> memref<1x80xi32, #tpu.memory_space<vmem>>
        %dma_wait3A_277 = tpu.memref_squeeze %dma_wait3A_276 : memref<1x80xi32, #tpu.memory_space<vmem>> -> memref<80xi32, #tpu.memory_space<vmem>>
        %dma_wait3A_278 = arith.constant 0 : i32
        %dma_wait3A_279 = arith.constant 0 : i32
        %dma_wait3A_280 = tpu.memref_slice %arg3[%scan3A_110, %dma_wait3A_278, %dma_wait3A_279] : memref<2x10000x64xf32, #tpu.memory_space<hbm>> -> memref<1x10000x64xf32, #tpu.memory_space<hbm>>
        %dma_wait3A_281 = tpu.memref_squeeze %dma_wait3A_280 : memref<1x10000x64xf32, #tpu.memory_space<hbm>> -> memref<10000x64xf32, #tpu.memory_space<hbm>>
        %dma_wait3A_282 = arith.constant 0 : i32
        %dma_wait3A_283 = arith.constant 0 : i32
        %dma_wait3A_284 = tpu.memref_slice %dma_wait3A_281[%dma_wait3A_282, %dma_wait3A_283] : memref<10000x64xf32, #tpu.memory_space<hbm>> -> memref<10000x64xf32, #tpu.memory_space<hbm>>
        tpu.wait_indirect_dma semaphore(%arg17 : memref<!tpu.dma_semaphore, #tpu.memory_space<semaphore_mem>>) src(%dma_wait3A_284 : memref<10000x64xf32, #tpu.memory_space<hbm>>) dst(%arg9 : memref<80x64xf32, #tpu.memory_space<vmem>>)
        %dma_start3A_285 = arith.constant 0 : i32
        %dma_start3A_286 = tpu.memref_slice %arg7[%add3A_274, %dma_start3A_285] : memref<250x80xi32, #tpu.memory_space<vmem>> -> memref<1x80xi32, #tpu.memory_space<vmem>>
        %dma_start3A_287 = tpu.memref_squeeze %dma_start3A_286 : memref<1x80xi32, #tpu.memory_space<vmem>> -> memref<80xi32, #tpu.memory_space<vmem>>
        %dma_start3A_288 = arith.constant 0 : i32
        %dma_start3A_289 = arith.constant 0 : i32
        %dma_start3A_290 = tpu.memref_slice %arg15[%dma_start3A_288, %dma_start3A_289] : memref<10240x64xf32, #tpu.memory_space<vmem_shared>> -> memref<10240x64xf32, #tpu.memory_space<vmem_shared>>
        tpu.enqueue_indirect_dma source(%arg9 : memref<80x64xf32, #tpu.memory_space<vmem>>) target(%dma_start3A_290 : memref<10240x64xf32, #tpu.memory_space<vmem_shared>>) offsets(%dma_start3A_287 : memref<80xi32, #tpu.memory_space<vmem>>) semaphore(%arg18 : memref<!tpu.dma_semaphore, #tpu.memory_space<semaphore_mem>>) {add = true}
        %ge3A_291 = arith.constant 2 : i32
        %ge3A_292 = arith.cmpi sge, %add3A_274, %ge3A_291 : i32
        %convert_element_type3A_293 = arith.extui %ge3A_292 : i1 to i32
        %cond3A_294 = arith.constant 0 : i32
        %cond3A_295 = arith.cmpi ne, %convert_element_type3A_293, %cond3A_294 : i32
        scf.if %cond3A_295 {
          %sub3A = arith.constant 2 : i32
          %sub3A_384 = arith.subi %add3A_274, %sub3A : i32
          %dma_wait3A_385 = arith.constant 0 : i32
          %dma_wait3A_386 = tpu.memref_slice %arg7[%sub3A_384, %dma_wait3A_385] : memref<250x80xi32, #tpu.memory_space<vmem>> -> memref<1x80xi32, #tpu.memory_space<vmem>>
          %dma_wait3A_387 = tpu.memref_squeeze %dma_wait3A_386 : memref<1x80xi32, #tpu.memory_space<vmem>> -> memref<80xi32, #tpu.memory_space<vmem>>
          %dma_wait3A_388 = arith.constant 0 : i32
          %dma_wait3A_389 = arith.constant 0 : i32
          %dma_wait3A_390 = tpu.memref_slice %arg15[%dma_wait3A_388, %dma_wait3A_389] : memref<10240x64xf32, #tpu.memory_space<vmem_shared>> -> memref<10240x64xf32, #tpu.memory_space<vmem_shared>>
          tpu.wait_indirect_dma semaphore(%arg18 : memref<!tpu.dma_semaphore, #tpu.memory_space<semaphore_mem>>) src(%arg11 : memref<80x64xf32, #tpu.memory_space<vmem>>) dst(%dma_wait3A_390 : memref<10240x64xf32, #tpu.memory_space<vmem_shared>>)
          %sub3A_391 = arith.constant 2 : i32
          %sub3A_392 = arith.subi %add3A_274, %sub3A_391 : i32
        } else {
        }
        %add3A_296 = arith.constant 2 : i32
        %add3A_297 = arith.addi %add3A_274, %add3A_296 : i32
        %min3A_298 = arith.constant 249 : i32
        %min3A_299 = arith.minsi %add3A_297, %min3A_298 : i32
        %dma_start3A_300 = arith.constant 0 : i32
        %dma_start3A_301 = tpu.memref_slice %arg6[%min3A_299, %dma_start3A_300] : memref<250x80xi32, #tpu.memory_space<vmem>> -> memref<1x80xi32, #tpu.memory_space<vmem>>
        %dma_start3A_302 = tpu.memref_squeeze %dma_start3A_301 : memref<1x80xi32, #tpu.memory_space<vmem>> -> memref<80xi32, #tpu.memory_space<vmem>>
        %dma_start3A_303 = arith.constant 0 : i32
        %dma_start3A_304 = arith.constant 0 : i32
        %dma_start3A_305 = tpu.memref_slice %arg3[%scan3A_110, %dma_start3A_303, %dma_start3A_304] : memref<2x10000x64xf32, #tpu.memory_space<hbm>> -> memref<1x10000x64xf32, #tpu.memory_space<hbm>>
        %dma_start3A_306 = tpu.memref_squeeze %dma_start3A_305 : memref<1x10000x64xf32, #tpu.memory_space<hbm>> -> memref<10000x64xf32, #tpu.memory_space<hbm>>
        %dma_start3A_307 = arith.constant 0 : i32
        %dma_start3A_308 = arith.constant 0 : i32
        %dma_start3A_309 = tpu.memref_slice %dma_start3A_306[%dma_start3A_307, %dma_start3A_308] : memref<10000x64xf32, #tpu.memory_space<hbm>> -> memref<10000x64xf32, #tpu.memory_space<hbm>>
        tpu.enqueue_indirect_dma source(%dma_start3A_309 : memref<10000x64xf32, #tpu.memory_space<hbm>>) target(%arg11 : memref<80x64xf32, #tpu.memory_space<vmem>>) offsets(%dma_start3A_302 : memref<80xi32, #tpu.memory_space<vmem>>) semaphore(%arg17 : memref<!tpu.dma_semaphore, #tpu.memory_space<semaphore_mem>>)
        %add3A_310 = arith.constant 2 : i32
        %add3A_311 = arith.addi %mul3A_237, %add3A_310 : i32
        %dma_wait3A_312 = arith.constant 0 : i32
        %dma_wait3A_313 = tpu.memref_slice %arg6[%add3A_311, %dma_wait3A_312] : memref<250x80xi32, #tpu.memory_space<vmem>> -> memref<1x80xi32, #tpu.memory_space<vmem>>
        %dma_wait3A_314 = tpu.memref_squeeze %dma_wait3A_313 : memref<1x80xi32, #tpu.memory_space<vmem>> -> memref<80xi32, #tpu.memory_space<vmem>>
        %dma_wait3A_315 = arith.constant 0 : i32
        %dma_wait3A_316 = arith.constant 0 : i32
        %dma_wait3A_317 = tpu.memref_slice %arg3[%scan3A_110, %dma_wait3A_315, %dma_wait3A_316] : memref<2x10000x64xf32, #tpu.memory_space<hbm>> -> memref<1x10000x64xf32, #tpu.memory_space<hbm>>
        %dma_wait3A_318 = tpu.memref_squeeze %dma_wait3A_317 : memref<1x10000x64xf32, #tpu.memory_space<hbm>> -> memref<10000x64xf32, #tpu.memory_space<hbm>>
        %dma_wait3A_319 = arith.constant 0 : i32
        %dma_wait3A_320 = arith.constant 0 : i32
        %dma_wait3A_321 = tpu.memref_slice %dma_wait3A_318[%dma_wait3A_319, %dma_wait3A_320] : memref<10000x64xf32, #tpu.memory_space<hbm>> -> memref<10000x64xf32, #tpu.memory_space<hbm>>
        tpu.wait_indirect_dma semaphore(%arg17 : memref<!tpu.dma_semaphore, #tpu.memory_space<semaphore_mem>>) src(%dma_wait3A_321 : memref<10000x64xf32, #tpu.memory_space<hbm>>) dst(%arg10 : memref<80x64xf32, #tpu.memory_space<vmem>>)
        %dma_start3A_322 = arith.constant 0 : i32
        %dma_start3A_323 = tpu.memref_slice %arg7[%add3A_311, %dma_start3A_322] : memref<250x80xi32, #tpu.memory_space<vmem>> -> memref<1x80xi32, #tpu.memory_space<vmem>>
        %dma_start3A_324 = tpu.memref_squeeze %dma_start3A_323 : memref<1x80xi32, #tpu.memory_space<vmem>> -> memref<80xi32, #tpu.memory_space<vmem>>
        %dma_start3A_325 = arith.constant 0 : i32
        %dma_start3A_326 = arith.constant 0 : i32
        %dma_start3A_327 = tpu.memref_slice %arg15[%dma_start3A_325, %dma_start3A_326] : memref<10240x64xf32, #tpu.memory_space<vmem_shared>> -> memref<10240x64xf32, #tpu.memory_space<vmem_shared>>
        tpu.enqueue_indirect_dma source(%arg10 : memref<80x64xf32, #tpu.memory_space<vmem>>) target(%dma_start3A_327 : memref<10240x64xf32, #tpu.memory_space<vmem_shared>>) offsets(%dma_start3A_324 : memref<80xi32, #tpu.memory_space<vmem>>) semaphore(%arg18 : memref<!tpu.dma_semaphore, #tpu.memory_space<semaphore_mem>>) {add = true}
        %ge3A_328 = arith.constant 2 : i32
        %ge3A_329 = arith.cmpi sge, %add3A_311, %ge3A_328 : i32
        %convert_element_type3A_330 = arith.extui %ge3A_329 : i1 to i32
        %cond3A_331 = arith.constant 0 : i32
        %cond3A_332 = arith.cmpi ne, %convert_element_type3A_330, %cond3A_331 : i32
        scf.if %cond3A_332 {
          %sub3A = arith.constant 2 : i32
          %sub3A_384 = arith.subi %add3A_311, %sub3A : i32
          %dma_wait3A_385 = arith.constant 0 : i32
          %dma_wait3A_386 = tpu.memref_slice %arg7[%sub3A_384, %dma_wait3A_385] : memref<250x80xi32, #tpu.memory_space<vmem>> -> memref<1x80xi32, #tpu.memory_space<vmem>>
          %dma_wait3A_387 = tpu.memref_squeeze %dma_wait3A_386 : memref<1x80xi32, #tpu.memory_space<vmem>> -> memref<80xi32, #tpu.memory_space<vmem>>
          %dma_wait3A_388 = arith.constant 0 : i32
          %dma_wait3A_389 = arith.constant 0 : i32
          %dma_wait3A_390 = tpu.memref_slice %arg15[%dma_wait3A_388, %dma_wait3A_389] : memref<10240x64xf32, #tpu.memory_space<vmem_shared>> -> memref<10240x64xf32, #tpu.memory_space<vmem_shared>>
          tpu.wait_indirect_dma semaphore(%arg18 : memref<!tpu.dma_semaphore, #tpu.memory_space<semaphore_mem>>) src(%arg8 : memref<80x64xf32, #tpu.memory_space<vmem>>) dst(%dma_wait3A_390 : memref<10240x64xf32, #tpu.memory_space<vmem_shared>>)
          %sub3A_391 = arith.constant 2 : i32
          %sub3A_392 = arith.subi %add3A_311, %sub3A_391 : i32
        } else {
        }
        %add3A_333 = arith.constant 2 : i32
        %add3A_334 = arith.addi %add3A_311, %add3A_333 : i32
        %min3A_335 = arith.constant 249 : i32
        %min3A_336 = arith.minsi %add3A_334, %min3A_335 : i32
        %dma_start3A_337 = arith.constant 0 : i32
        %dma_start3A_338 = tpu.memref_slice %arg6[%min3A_336, %dma_start3A_337] : memref<250x80xi32, #tpu.memory_space<vmem>> -> memref<1x80xi32, #tpu.memory_space<vmem>>
        %dma_start3A_339 = tpu.memref_squeeze %dma_start3A_338 : memref<1x80xi32, #tpu.memory_space<vmem>> -> memref<80xi32, #tpu.memory_space<vmem>>
        %dma_start3A_340 = arith.constant 0 : i32
        %dma_start3A_341 = arith.constant 0 : i32
        %dma_start3A_342 = tpu.memref_slice %arg3[%scan3A_110, %dma_start3A_340, %dma_start3A_341] : memref<2x10000x64xf32, #tpu.memory_space<hbm>> -> memref<1x10000x64xf32, #tpu.memory_space<hbm>>
        %dma_start3A_343 = tpu.memref_squeeze %dma_start3A_342 : memref<1x10000x64xf32, #tpu.memory_space<hbm>> -> memref<10000x64xf32, #tpu.memory_space<hbm>>
        %dma_start3A_344 = arith.constant 0 : i32
        %dma_start3A_345 = arith.constant 0 : i32
        %dma_start3A_346 = tpu.memref_slice %dma_start3A_343[%dma_start3A_344, %dma_start3A_345] : memref<10000x64xf32, #tpu.memory_space<hbm>> -> memref<10000x64xf32, #tpu.memory_space<hbm>>
        tpu.enqueue_indirect_dma source(%dma_start3A_346 : memref<10000x64xf32, #tpu.memory_space<hbm>>) target(%arg8 : memref<80x64xf32, #tpu.memory_space<vmem>>) offsets(%dma_start3A_339 : memref<80xi32, #tpu.memory_space<vmem>>) semaphore(%arg17 : memref<!tpu.dma_semaphore, #tpu.memory_space<semaphore_mem>>)
        %add3A_347 = arith.constant 3 : i32
        %add3A_348 = arith.addi %mul3A_237, %add3A_347 : i32
        %dma_wait3A_349 = arith.constant 0 : i32
        %dma_wait3A_350 = tpu.memref_slice %arg6[%add3A_348, %dma_wait3A_349] : memref<250x80xi32, #tpu.memory_space<vmem>> -> memref<1x80xi32, #tpu.memory_space<vmem>>
        %dma_wait3A_351 = tpu.memref_squeeze %dma_wait3A_350 : memref<1x80xi32, #tpu.memory_space<vmem>> -> memref<80xi32, #tpu.memory_space<vmem>>
        %dma_wait3A_352 = arith.constant 0 : i32
        %dma_wait3A_353 = arith.constant 0 : i32
        %dma_wait3A_354 = tpu.memref_slice %arg3[%scan3A_110, %dma_wait3A_352, %dma_wait3A_353] : memref<2x10000x64xf32, #tpu.memory_space<hbm>> -> memref<1x10000x64xf32, #tpu.memory_space<hbm>>
        %dma_wait3A_355 = tpu.memref_squeeze %dma_wait3A_354 : memref<1x10000x64xf32, #tpu.memory_space<hbm>> -> memref<10000x64xf32, #tpu.memory_space<hbm>>
        %dma_wait3A_356 = arith.constant 0 : i32
        %dma_wait3A_357 = arith.constant 0 : i32
        %dma_wait3A_358 = tpu.memref_slice %dma_wait3A_355[%dma_wait3A_356, %dma_wait3A_357] : memref<10000x64xf32, #tpu.memory_space<hbm>> -> memref<10000x64xf32, #tpu.memory_space<hbm>>
        tpu.wait_indirect_dma semaphore(%arg17 : memref<!tpu.dma_semaphore, #tpu.memory_space<semaphore_mem>>) src(%dma_wait3A_358 : memref<10000x64xf32, #tpu.memory_space<hbm>>) dst(%arg11 : memref<80x64xf32, #tpu.memory_space<vmem>>)
        %dma_start3A_359 = arith.constant 0 : i32
        %dma_start3A_360 = tpu.memref_slice %arg7[%add3A_348, %dma_start3A_359] : memref<250x80xi32, #tpu.memory_space<vmem>> -> memref<1x80xi32, #tpu.memory_space<vmem>>
        %dma_start3A_361 = tpu.memref_squeeze %dma_start3A_360 : memref<1x80xi32, #tpu.memory_space<vmem>> -> memref<80xi32, #tpu.memory_space<vmem>>
        %dma_start3A_362 = arith.constant 0 : i32
        %dma_start3A_363 = arith.constant 0 : i32
        %dma_start3A_364 = tpu.memref_slice %arg15[%dma_start3A_362, %dma_start3A_363] : memref<10240x64xf32, #tpu.memory_space<vmem_shared>> -> memref<10240x64xf32, #tpu.memory_space<vmem_shared>>
        tpu.enqueue_indirect_dma source(%arg11 : memref<80x64xf32, #tpu.memory_space<vmem>>) target(%dma_start3A_364 : memref<10240x64xf32, #tpu.memory_space<vmem_shared>>) offsets(%dma_start3A_361 : memref<80xi32, #tpu.memory_space<vmem>>) semaphore(%arg18 : memref<!tpu.dma_semaphore, #tpu.memory_space<semaphore_mem>>) {add = true}
        %ge3A_365 = arith.constant 2 : i32
        %ge3A_366 = arith.cmpi sge, %add3A_348, %ge3A_365 : i32
        %convert_element_type3A_367 = arith.extui %ge3A_366 : i1 to i32
        %cond3A_368 = arith.constant 0 : i32
        %cond3A_369 = arith.cmpi ne, %convert_element_type3A_367, %cond3A_368 : i32
        scf.if %cond3A_369 {
          %sub3A = arith.constant 2 : i32
          %sub3A_384 = arith.subi %add3A_348, %sub3A : i32
          %dma_wait3A_385 = arith.constant 0 : i32
          %dma_wait3A_386 = tpu.memref_slice %arg7[%sub3A_384, %dma_wait3A_385] : memref<250x80xi32, #tpu.memory_space<vmem>> -> memref<1x80xi32, #tpu.memory_space<vmem>>
          %dma_wait3A_387 = tpu.memref_squeeze %dma_wait3A_386 : memref<1x80xi32, #tpu.memory_space<vmem>> -> memref<80xi32, #tpu.memory_space<vmem>>
          %dma_wait3A_388 = arith.constant 0 : i32
          %dma_wait3A_389 = arith.constant 0 : i32
          %dma_wait3A_390 = tpu.memref_slice %arg15[%dma_wait3A_388, %dma_wait3A_389] : memref<10240x64xf32, #tpu.memory_space<vmem_shared>> -> memref<10240x64xf32, #tpu.memory_space<vmem_shared>>
          tpu.wait_indirect_dma semaphore(%arg18 : memref<!tpu.dma_semaphore, #tpu.memory_space<semaphore_mem>>) src(%arg9 : memref<80x64xf32, #tpu.memory_space<vmem>>) dst(%dma_wait3A_390 : memref<10240x64xf32, #tpu.memory_space<vmem_shared>>)
          %sub3A_391 = arith.constant 2 : i32
          %sub3A_392 = arith.subi %add3A_348, %sub3A_391 : i32
        } else {
        }
        %add3A_370 = arith.constant 2 : i32
        %add3A_371 = arith.addi %add3A_348, %add3A_370 : i32
        %min3A_372 = arith.constant 249 : i32
        %min3A_373 = arith.minsi %add3A_371, %min3A_372 : i32
        %dma_start3A_374 = arith.constant 0 : i32
        %dma_start3A_375 = tpu.memref_slice %arg6[%min3A_373, %dma_start3A_374] : memref<250x80xi32, #tpu.memory_space<vmem>> -> memref<1x80xi32, #tpu.memory_space<vmem>>
        %dma_start3A_376 = tpu.memref_squeeze %dma_start3A_375 : memref<1x80xi32, #tpu.memory_space<vmem>> -> memref<80xi32, #tpu.memory_space<vmem>>
        %dma_start3A_377 = arith.constant 0 : i32
        %dma_start3A_378 = arith.constant 0 : i32
        %dma_start3A_379 = tpu.memref_slice %arg3[%scan3A_110, %dma_start3A_377, %dma_start3A_378] : memref<2x10000x64xf32, #tpu.memory_space<hbm>> -> memref<1x10000x64xf32, #tpu.memory_space<hbm>>
        %dma_start3A_380 = tpu.memref_squeeze %dma_start3A_379 : memref<1x10000x64xf32, #tpu.memory_space<hbm>> -> memref<10000x64xf32, #tpu.memory_space<hbm>>
        %dma_start3A_381 = arith.constant 0 : i32
        %dma_start3A_382 = arith.constant 0 : i32
        %dma_start3A_383 = tpu.memref_slice %dma_start3A_380[%dma_start3A_381, %dma_start3A_382] : memref<10000x64xf32, #tpu.memory_space<hbm>> -> memref<10000x64xf32, #tpu.memory_space<hbm>>
        tpu.enqueue_indirect_dma source(%dma_start3A_383 : memref<10000x64xf32, #tpu.memory_space<hbm>>) target(%arg9 : memref<80x64xf32, #tpu.memory_space<vmem>>) offsets(%dma_start3A_376 : memref<80xi32, #tpu.memory_space<vmem>>) semaphore(%arg17 : memref<!tpu.dma_semaphore, #tpu.memory_space<semaphore_mem>>)
      }
      %scan3A_115 = arith.constant 62 : i32
      %dma_wait3A_116 = arith.constant 1 : i32
      %dma_wait3A_117 = arith.constant 248 : i32
      %dma_wait3A_118 = arith.constant 0 : i32
      %dma_wait3A_119 = tpu.memref_slice %arg6[%dma_wait3A_117, %dma_wait3A_118] : memref<250x80xi32, #tpu.memory_space<vmem>> -> memref<1x80xi32, #tpu.memory_space<vmem>>
      %dma_wait3A_120 = tpu.memref_squeeze %dma_wait3A_119 : memref<1x80xi32, #tpu.memory_space<vmem>> -> memref<80xi32, #tpu.memory_space<vmem>>
      %dma_wait3A_121 = arith.constant 0 : i32
      %dma_wait3A_122 = arith.constant 0 : i32
      %dma_wait3A_123 = tpu.memref_slice %arg3[%dma_wait3A_116, %dma_wait3A_121, %dma_wait3A_122] : memref<2x10000x64xf32, #tpu.memory_space<hbm>> -> memref<1x10000x64xf32, #tpu.memory_space<hbm>>
      %dma_wait3A_124 = tpu.memref_squeeze %dma_wait3A_123 : memref<1x10000x64xf32, #tpu.memory_space<hbm>> -> memref<10000x64xf32, #tpu.memory_space<hbm>>
      %dma_wait3A_125 = arith.constant 0 : i32
      %dma_wait3A_126 = arith.constant 0 : i32
      %dma_wait3A_127 = tpu.memref_slice %dma_wait3A_124[%dma_wait3A_125, %dma_wait3A_126] : memref<10000x64xf32, #tpu.memory_space<hbm>> -> memref<10000x64xf32, #tpu.memory_space<hbm>>
      tpu.wait_indirect_dma semaphore(%arg17 : memref<!tpu.dma_semaphore, #tpu.memory_space<semaphore_mem>>) src(%dma_wait3A_127 : memref<10000x64xf32, #tpu.memory_space<hbm>>) dst(%arg8 : memref<80x64xf32, #tpu.memory_space<vmem>>)
      %dma_start3A_128 = arith.constant 248 : i32
      %dma_start3A_129 = arith.constant 0 : i32
      %dma_start3A_130 = tpu.memref_slice %arg7[%dma_start3A_128, %dma_start3A_129] : memref<250x80xi32, #tpu.memory_space<vmem>> -> memref<1x80xi32, #tpu.memory_space<vmem>>
      %dma_start3A_131 = tpu.memref_squeeze %dma_start3A_130 : memref<1x80xi32, #tpu.memory_space<vmem>> -> memref<80xi32, #tpu.memory_space<vmem>>
      %dma_start3A_132 = arith.constant 0 : i32
      %dma_start3A_133 = arith.constant 0 : i32
      %dma_start3A_134 = tpu.memref_slice %arg15[%dma_start3A_132, %dma_start3A_133] : memref<10240x64xf32, #tpu.memory_space<vmem_shared>> -> memref<10240x64xf32, #tpu.memory_space<vmem_shared>>
      tpu.enqueue_indirect_dma source(%arg8 : memref<80x64xf32, #tpu.memory_space<vmem>>) target(%dma_start3A_134 : memref<10240x64xf32, #tpu.memory_space<vmem_shared>>) offsets(%dma_start3A_131 : memref<80xi32, #tpu.memory_space<vmem>>) semaphore(%arg18 : memref<!tpu.dma_semaphore, #tpu.memory_space<semaphore_mem>>) {add = true}
      %ge3A = arith.constant 248 : i32
      %ge3A_135 = arith.constant 2 : i32
      %ge3A_136 = arith.cmpi sge, %ge3A, %ge3A_135 : i32
      %convert_element_type3A_137 = arith.extui %ge3A_136 : i1 to i32
      %cond3A_138 = arith.constant 248 : i32
      %cond3A_139 = arith.constant 0 : i32
      %cond3A_140 = arith.cmpi ne, %convert_element_type3A_137, %cond3A_139 : i32
      scf.if %cond3A_140 {
        %sub3A = arith.constant 2 : i32
        %sub3A_235 = arith.subi %cond3A_138, %sub3A : i32
        %dma_wait3A_236 = arith.constant 0 : i32
        %dma_wait3A_237 = tpu.memref_slice %arg7[%sub3A_235, %dma_wait3A_236] : memref<250x80xi32, #tpu.memory_space<vmem>> -> memref<1x80xi32, #tpu.memory_space<vmem>>
        %dma_wait3A_238 = tpu.memref_squeeze %dma_wait3A_237 : memref<1x80xi32, #tpu.memory_space<vmem>> -> memref<80xi32, #tpu.memory_space<vmem>>
        %dma_wait3A_239 = arith.constant 0 : i32
        %dma_wait3A_240 = arith.constant 0 : i32
        %dma_wait3A_241 = tpu.memref_slice %arg15[%dma_wait3A_239, %dma_wait3A_240] : memref<10240x64xf32, #tpu.memory_space<vmem_shared>> -> memref<10240x64xf32, #tpu.memory_space<vmem_shared>>
        tpu.wait_indirect_dma semaphore(%arg18 : memref<!tpu.dma_semaphore, #tpu.memory_space<semaphore_mem>>) src(%arg10 : memref<80x64xf32, #tpu.memory_space<vmem>>) dst(%dma_wait3A_241 : memref<10240x64xf32, #tpu.memory_space<vmem_shared>>)
        %sub3A_242 = arith.constant 2 : i32
        %sub3A_243 = arith.subi %cond3A_138, %sub3A_242 : i32
      } else {
      }
      %add3A = arith.constant 248 : i32
      %add3A_141 = arith.constant 2 : i32
      %add3A_142 = arith.addi %add3A, %add3A_141 : i32
      %min3A = arith.constant 249 : i32
      %min3A_143 = arith.minsi %add3A_142, %min3A : i32
      %dma_start3A_144 = arith.constant 1 : i32
      %dma_start3A_145 = arith.constant 0 : i32
      %dma_start3A_146 = tpu.memref_slice %arg6[%min3A_143, %dma_start3A_145] : memref<250x80xi32, #tpu.memory_space<vmem>> -> memref<1x80xi32, #tpu.memory_space<vmem>>
      %dma_start3A_147 = tpu.memref_squeeze %dma_start3A_146 : memref<1x80xi32, #tpu.memory_space<vmem>> -> memref<80xi32, #tpu.memory_space<vmem>>
      %dma_start3A_148 = arith.constant 0 : i32
      %dma_start3A_149 = arith.constant 0 : i32
      %dma_start3A_150 = tpu.memref_slice %arg3[%dma_start3A_144, %dma_start3A_148, %dma_start3A_149] : memref<2x10000x64xf32, #tpu.memory_space<hbm>> -> memref<1x10000x64xf32, #tpu.memory_space<hbm>>
      %dma_start3A_151 = tpu.memref_squeeze %dma_start3A_150 : memref<1x10000x64xf32, #tpu.memory_space<hbm>> -> memref<10000x64xf32, #tpu.memory_space<hbm>>
      %dma_start3A_152 = arith.constant 0 : i32
      %dma_start3A_153 = arith.constant 0 : i32
      %dma_start3A_154 = tpu.memref_slice %dma_start3A_151[%dma_start3A_152, %dma_start3A_153] : memref<10000x64xf32, #tpu.memory_space<hbm>> -> memref<10000x64xf32, #tpu.memory_space<hbm>>
      tpu.enqueue_indirect_dma source(%dma_start3A_154 : memref<10000x64xf32, #tpu.memory_space<hbm>>) target(%arg10 : memref<80x64xf32, #tpu.memory_space<vmem>>) offsets(%dma_start3A_147 : memref<80xi32, #tpu.memory_space<vmem>>) semaphore(%arg17 : memref<!tpu.dma_semaphore, #tpu.memory_space<semaphore_mem>>)
      %dma_wait3A_155 = arith.constant 1 : i32
      %dma_wait3A_156 = arith.constant 249 : i32
      %dma_wait3A_157 = arith.constant 0 : i32
      %dma_wait3A_158 = tpu.memref_slice %arg6[%dma_wait3A_156, %dma_wait3A_157] : memref<250x80xi32, #tpu.memory_space<vmem>> -> memref<1x80xi32, #tpu.memory_space<vmem>>
      %dma_wait3A_159 = tpu.memref_squeeze %dma_wait3A_158 : memref<1x80xi32, #tpu.memory_space<vmem>> -> memref<80xi32, #tpu.memory_space<vmem>>
      %dma_wait3A_160 = arith.constant 0 : i32
      %dma_wait3A_161 = arith.constant 0 : i32
      %dma_wait3A_162 = tpu.memref_slice %arg3[%dma_wait3A_155, %dma_wait3A_160, %dma_wait3A_161] : memref<2x10000x64xf32, #tpu.memory_space<hbm>> -> memref<1x10000x64xf32, #tpu.memory_space<hbm>>
      %dma_wait3A_163 = tpu.memref_squeeze %dma_wait3A_162 : memref<1x10000x64xf32, #tpu.memory_space<hbm>> -> memref<10000x64xf32, #tpu.memory_space<hbm>>
      %dma_wait3A_164 = arith.constant 0 : i32
      %dma_wait3A_165 = arith.constant 0 : i32
      %dma_wait3A_166 = tpu.memref_slice %dma_wait3A_163[%dma_wait3A_164, %dma_wait3A_165] : memref<10000x64xf32, #tpu.memory_space<hbm>> -> memref<10000x64xf32, #tpu.memory_space<hbm>>
      tpu.wait_indirect_dma semaphore(%arg17 : memref<!tpu.dma_semaphore, #tpu.memory_space<semaphore_mem>>) src(%dma_wait3A_166 : memref<10000x64xf32, #tpu.memory_space<hbm>>) dst(%arg9 : memref<80x64xf32, #tpu.memory_space<vmem>>)
      %dma_start3A_167 = arith.constant 249 : i32
      %dma_start3A_168 = arith.constant 0 : i32
      %dma_start3A_169 = tpu.memref_slice %arg7[%dma_start3A_167, %dma_start3A_168] : memref<250x80xi32, #tpu.memory_space<vmem>> -> memref<1x80xi32, #tpu.memory_space<vmem>>
      %dma_start3A_170 = tpu.memref_squeeze %dma_start3A_169 : memref<1x80xi32, #tpu.memory_space<vmem>> -> memref<80xi32, #tpu.memory_space<vmem>>
      %dma_start3A_171 = arith.constant 0 : i32
      %dma_start3A_172 = arith.constant 0 : i32
      %dma_start3A_173 = tpu.memref_slice %arg15[%dma_start3A_171, %dma_start3A_172] : memref<10240x64xf32, #tpu.memory_space<vmem_shared>> -> memref<10240x64xf32, #tpu.memory_space<vmem_shared>>
      tpu.enqueue_indirect_dma source(%arg9 : memref<80x64xf32, #tpu.memory_space<vmem>>) target(%dma_start3A_173 : memref<10240x64xf32, #tpu.memory_space<vmem_shared>>) offsets(%dma_start3A_170 : memref<80xi32, #tpu.memory_space<vmem>>) semaphore(%arg18 : memref<!tpu.dma_semaphore, #tpu.memory_space<semaphore_mem>>) {add = true}
      %ge3A_174 = arith.constant 249 : i32
      %ge3A_175 = arith.constant 2 : i32
      %ge3A_176 = arith.cmpi sge, %ge3A_174, %ge3A_175 : i32
      %convert_element_type3A_177 = arith.extui %ge3A_176 : i1 to i32
      %cond3A_178 = arith.constant 249 : i32
      %cond3A_179 = arith.constant 0 : i32
      %cond3A_180 = arith.cmpi ne, %convert_element_type3A_177, %cond3A_179 : i32
      scf.if %cond3A_180 {
        %sub3A = arith.constant 2 : i32
        %sub3A_235 = arith.subi %cond3A_178, %sub3A : i32
        %dma_wait3A_236 = arith.constant 0 : i32
        %dma_wait3A_237 = tpu.memref_slice %arg7[%sub3A_235, %dma_wait3A_236] : memref<250x80xi32, #tpu.memory_space<vmem>> -> memref<1x80xi32, #tpu.memory_space<vmem>>
        %dma_wait3A_238 = tpu.memref_squeeze %dma_wait3A_237 : memref<1x80xi32, #tpu.memory_space<vmem>> -> memref<80xi32, #tpu.memory_space<vmem>>
        %dma_wait3A_239 = arith.constant 0 : i32
        %dma_wait3A_240 = arith.constant 0 : i32
        %dma_wait3A_241 = tpu.memref_slice %arg15[%dma_wait3A_239, %dma_wait3A_240] : memref<10240x64xf32, #tpu.memory_space<vmem_shared>> -> memref<10240x64xf32, #tpu.memory_space<vmem_shared>>
        tpu.wait_indirect_dma semaphore(%arg18 : memref<!tpu.dma_semaphore, #tpu.memory_space<semaphore_mem>>) src(%arg11 : memref<80x64xf32, #tpu.memory_space<vmem>>) dst(%dma_wait3A_241 : memref<10240x64xf32, #tpu.memory_space<vmem_shared>>)
        %sub3A_242 = arith.constant 2 : i32
        %sub3A_243 = arith.subi %cond3A_178, %sub3A_242 : i32
      } else {
      }
      %add3A_181 = arith.constant 249 : i32
      %add3A_182 = arith.constant 2 : i32
      %add3A_183 = arith.addi %add3A_181, %add3A_182 : i32
      %min3A_184 = arith.constant 249 : i32
      %min3A_185 = arith.minsi %add3A_183, %min3A_184 : i32
      %dma_start3A_186 = arith.constant 1 : i32
      %dma_start3A_187 = arith.constant 0 : i32
      %dma_start3A_188 = tpu.memref_slice %arg6[%min3A_185, %dma_start3A_187] : memref<250x80xi32, #tpu.memory_space<vmem>> -> memref<1x80xi32, #tpu.memory_space<vmem>>
      %dma_start3A_189 = tpu.memref_squeeze %dma_start3A_188 : memref<1x80xi32, #tpu.memory_space<vmem>> -> memref<80xi32, #tpu.memory_space<vmem>>
      %dma_start3A_190 = arith.constant 0 : i32
      %dma_start3A_191 = arith.constant 0 : i32
      %dma_start3A_192 = tpu.memref_slice %arg3[%dma_start3A_186, %dma_start3A_190, %dma_start3A_191] : memref<2x10000x64xf32, #tpu.memory_space<hbm>> -> memref<1x10000x64xf32, #tpu.memory_space<hbm>>
      %dma_start3A_193 = tpu.memref_squeeze %dma_start3A_192 : memref<1x10000x64xf32, #tpu.memory_space<hbm>> -> memref<10000x64xf32, #tpu.memory_space<hbm>>
      %dma_start3A_194 = arith.constant 0 : i32
      %dma_start3A_195 = arith.constant 0 : i32
      %dma_start3A_196 = tpu.memref_slice %dma_start3A_193[%dma_start3A_194, %dma_start3A_195] : memref<10000x64xf32, #tpu.memory_space<hbm>> -> memref<10000x64xf32, #tpu.memory_space<hbm>>
      tpu.enqueue_indirect_dma source(%dma_start3A_196 : memref<10000x64xf32, #tpu.memory_space<hbm>>) target(%arg11 : memref<80x64xf32, #tpu.memory_space<vmem>>) offsets(%dma_start3A_189 : memref<80xi32, #tpu.memory_space<vmem>>) semaphore(%arg17 : memref<!tpu.dma_semaphore, #tpu.memory_space<semaphore_mem>>)
      %dma_wait3A_197 = arith.constant 248 : i32
      %dma_wait3A_198 = arith.constant 0 : i32
      %dma_wait3A_199 = tpu.memref_slice %arg7[%dma_wait3A_197, %dma_wait3A_198] : memref<250x80xi32, #tpu.memory_space<vmem>> -> memref<1x80xi32, #tpu.memory_space<vmem>>
      %dma_wait3A_200 = tpu.memref_squeeze %dma_wait3A_199 : memref<1x80xi32, #tpu.memory_space<vmem>> -> memref<80xi32, #tpu.memory_space<vmem>>
      %dma_wait3A_201 = arith.constant 0 : i32
      %dma_wait3A_202 = arith.constant 0 : i32
      %dma_wait3A_203 = tpu.memref_slice %arg15[%dma_wait3A_201, %dma_wait3A_202] : memref<10240x64xf32, #tpu.memory_space<vmem_shared>> -> memref<10240x64xf32, #tpu.memory_space<vmem_shared>>
      tpu.wait_indirect_dma semaphore(%arg18 : memref<!tpu.dma_semaphore, #tpu.memory_space<semaphore_mem>>) src(%arg8 : memref<80x64xf32, #tpu.memory_space<vmem>>) dst(%dma_wait3A_203 : memref<10240x64xf32, #tpu.memory_space<vmem_shared>>)
      %dma_wait3A_204 = arith.constant 249 : i32
      %dma_wait3A_205 = arith.constant 0 : i32
      %dma_wait3A_206 = tpu.memref_slice %arg7[%dma_wait3A_204, %dma_wait3A_205] : memref<250x80xi32, #tpu.memory_space<vmem>> -> memref<1x80xi32, #tpu.memory_space<vmem>>
      %dma_wait3A_207 = tpu.memref_squeeze %dma_wait3A_206 : memref<1x80xi32, #tpu.memory_space<vmem>> -> memref<80xi32, #tpu.memory_space<vmem>>
      %dma_wait3A_208 = arith.constant 0 : i32
      %dma_wait3A_209 = arith.constant 0 : i32
      %dma_wait3A_210 = tpu.memref_slice %arg15[%dma_wait3A_208, %dma_wait3A_209] : memref<10240x64xf32, #tpu.memory_space<vmem_shared>> -> memref<10240x64xf32, #tpu.memory_space<vmem_shared>>
      tpu.wait_indirect_dma semaphore(%arg18 : memref<!tpu.dma_semaphore, #tpu.memory_space<semaphore_mem>>) src(%arg9 : memref<80x64xf32, #tpu.memory_space<vmem>>) dst(%dma_wait3A_210 : memref<10240x64xf32, #tpu.memory_space<vmem_shared>>)
      %dma_wait3A_211 = arith.constant 1 : i32
      %dma_wait3A_212 = arith.constant 249 : i32
      %dma_wait3A_213 = arith.constant 0 : i32
      %dma_wait3A_214 = tpu.memref_slice %arg6[%dma_wait3A_212, %dma_wait3A_213] : memref<250x80xi32, #tpu.memory_space<vmem>> -> memref<1x80xi32, #tpu.memory_space<vmem>>
      %dma_wait3A_215 = tpu.memref_squeeze %dma_wait3A_214 : memref<1x80xi32, #tpu.memory_space<vmem>> -> memref<80xi32, #tpu.memory_space<vmem>>
      %dma_wait3A_216 = arith.constant 0 : i32
      %dma_wait3A_217 = arith.constant 0 : i32
      %dma_wait3A_218 = tpu.memref_slice %arg3[%dma_wait3A_211, %dma_wait3A_216, %dma_wait3A_217] : memref<2x10000x64xf32, #tpu.memory_space<hbm>> -> memref<1x10000x64xf32, #tpu.memory_space<hbm>>
      %dma_wait3A_219 = tpu.memref_squeeze %dma_wait3A_218 : memref<1x10000x64xf32, #tpu.memory_space<hbm>> -> memref<10000x64xf32, #tpu.memory_space<hbm>>
      %dma_wait3A_220 = arith.constant 0 : i32
      %dma_wait3A_221 = arith.constant 0 : i32
      %dma_wait3A_222 = tpu.memref_slice %dma_wait3A_219[%dma_wait3A_220, %dma_wait3A_221] : memref<10000x64xf32, #tpu.memory_space<hbm>> -> memref<10000x64xf32, #tpu.memory_space<hbm>>
      tpu.wait_indirect_dma semaphore(%arg17 : memref<!tpu.dma_semaphore, #tpu.memory_space<semaphore_mem>>) src(%dma_wait3A_222 : memref<10000x64xf32, #tpu.memory_space<hbm>>) dst(%arg10 : memref<80x64xf32, #tpu.memory_space<vmem>>)
      %dma_wait3A_223 = arith.constant 1 : i32
      %dma_wait3A_224 = arith.constant 249 : i32
      %dma_wait3A_225 = arith.constant 0 : i32
      %dma_wait3A_226 = tpu.memref_slice %arg6[%dma_wait3A_224, %dma_wait3A_225] : memref<250x80xi32, #tpu.memory_space<vmem>> -> memref<1x80xi32, #tpu.memory_space<vmem>>
      %dma_wait3A_227 = tpu.memref_squeeze %dma_wait3A_226 : memref<1x80xi32, #tpu.memory_space<vmem>> -> memref<80xi32, #tpu.memory_space<vmem>>
      %dma_wait3A_228 = arith.constant 0 : i32
      %dma_wait3A_229 = arith.constant 0 : i32
      %dma_wait3A_230 = tpu.memref_slice %arg3[%dma_wait3A_223, %dma_wait3A_228, %dma_wait3A_229] : memref<2x10000x64xf32, #tpu.memory_space<hbm>> -> memref<1x10000x64xf32, #tpu.memory_space<hbm>>
      %dma_wait3A_231 = tpu.memref_squeeze %dma_wait3A_230 : memref<1x10000x64xf32, #tpu.memory_space<hbm>> -> memref<10000x64xf32, #tpu.memory_space<hbm>>
      %dma_wait3A_232 = arith.constant 0 : i32
      %dma_wait3A_233 = arith.constant 0 : i32
      %dma_wait3A_234 = tpu.memref_slice %dma_wait3A_231[%dma_wait3A_232, %dma_wait3A_233] : memref<10000x64xf32, #tpu.memory_space<hbm>> -> memref<10000x64xf32, #tpu.memory_space<hbm>>
      tpu.wait_indirect_dma semaphore(%arg17 : memref<!tpu.dma_semaphore, #tpu.memory_space<semaphore_mem>>) src(%dma_wait3A_234 : memref<10000x64xf32, #tpu.memory_space<hbm>>) dst(%arg11 : memref<80x64xf32, #tpu.memory_space<vmem>>)
    } else {
    }
    %barrier3A_74 = arith.constant 0 : index
    tpu.barrier barrier_id(%barrier3A_74)
    %eq3A_75 = arith.constant 0 : i32
    %eq3A_76 = arith.cmpi eq, %arg0, %eq3A_75 : i32
    %convert_element_type3A_77 = arith.extui %eq3A_76 : i1 to i32
    %cond3A_78 = arith.constant 0 : i32
    %cond3A_79 = arith.cmpi ne, %convert_element_type3A_77, %cond3A_78 : i32
    scf.if %cond3A_79 {
      "tpu.region"() ({
        %run_scoped3A = tpu.sem_alloc : memref<!tpu.dma_semaphore, #tpu.memory_space<semaphore_mem>>
        %dma_start3A_85 = arith.constant 0 : i32
        %dma_start3A_86 = tpu.memref_slice %arg4[%mul3A_0, %dma_start3A_85] : memref<10240x128xf32, #tpu.memory_space<hbm>> -> memref<640x64xf32, #tpu.memory_space<hbm>>
        %dma_start3A_87 = arith.constant 0 : i32
        %dma_start3A_88 = tpu.memref_slice %arg15[%mul3A_0, %dma_start3A_87] : memref<10240x64xf32, #tpu.memory_space<vmem_shared>> -> memref<640x64xf32, #tpu.memory_space<vmem_shared>>
        tpu.enqueue_dma source(%dma_start3A_88 : memref<640x64xf32, #tpu.memory_space<vmem_shared>>) target(%dma_start3A_86 : memref<640x64xf32, #tpu.memory_space<hbm>>) target_semaphore(%run_scoped3A : memref<!tpu.dma_semaphore, #tpu.memory_space<semaphore_mem>>)
        %dma_wait3A_89 = arith.constant 0 : i32
        %dma_wait3A_90 = tpu.memref_slice %arg4[%mul3A_0, %dma_wait3A_89] : memref<10240x128xf32, #tpu.memory_space<hbm>> -> memref<640x64xf32, #tpu.memory_space<hbm>>
        %dma_wait3A_91 = arith.constant 0 : i32
        %dma_wait3A_92 = tpu.memref_slice %arg15[%mul3A_0, %dma_wait3A_91] : memref<10240x64xf32, #tpu.memory_space<vmem_shared>> -> memref<640x64xf32, #tpu.memory_space<vmem_shared>>
        tpu.wait_dma2 semaphore(%run_scoped3A : memref<!tpu.dma_semaphore, #tpu.memory_space<semaphore_mem>>) src(%dma_wait3A_92 : memref<640x64xf32, #tpu.memory_space<vmem_shared>>) dst(%dma_wait3A_90 : memref<640x64xf32, #tpu.memory_space<hbm>>)
        tpu.yield
      }) : () -> ()
      "tpu.region"() ({
        %run_scoped3A = tpu.sem_alloc : memref<!tpu.dma_semaphore, #tpu.memory_space<semaphore_mem>>
        %dma_start3A_85 = arith.constant 0 : i32
        %dma_start3A_86 = tpu.memref_slice %arg5[%mul3A_0, %dma_start3A_85] : memref<10240x16xf32, #tpu.memory_space<hbm>> -> memref<640x16xf32, #tpu.memory_space<hbm>>
        %dma_start3A_87 = arith.constant 0 : i32
        %dma_start3A_88 = tpu.memref_slice %arg16[%mul3A_0, %dma_start3A_87] : memref<10240x16xf32, #tpu.memory_space<vmem_shared>> -> memref<640x16xf32, #tpu.memory_space<vmem_shared>>
        tpu.enqueue_dma source(%dma_start3A_88 : memref<640x16xf32, #tpu.memory_space<vmem_shared>>) target(%dma_start3A_86 : memref<640x16xf32, #tpu.memory_space<hbm>>) target_semaphore(%run_scoped3A : memref<!tpu.dma_semaphore, #tpu.memory_space<semaphore_mem>>)
        %dma_wait3A_89 = arith.constant 0 : i32
        %dma_wait3A_90 = tpu.memref_slice %arg5[%mul3A_0, %dma_wait3A_89] : memref<10240x16xf32, #tpu.memory_space<hbm>> -> memref<640x16xf32, #tpu.memory_space<hbm>>
        %dma_wait3A_91 = arith.constant 0 : i32
        %dma_wait3A_92 = tpu.memref_slice %arg16[%mul3A_0, %dma_wait3A_91] : memref<10240x16xf32, #tpu.memory_space<vmem_shared>> -> memref<640x16xf32, #tpu.memory_space<vmem_shared>>
        tpu.wait_dma2 semaphore(%run_scoped3A : memref<!tpu.dma_semaphore, #tpu.memory_space<semaphore_mem>>) src(%dma_wait3A_92 : memref<640x16xf32, #tpu.memory_space<vmem_shared>>) dst(%dma_wait3A_90 : memref<640x16xf32, #tpu.memory_space<hbm>>)
        tpu.yield
      }) : () -> ()
    } else {
    }
    %eq3A_80 = arith.constant 1 : i32
    %eq3A_81 = arith.cmpi eq, %arg0, %eq3A_80 : i32
    %convert_element_type3A_82 = arith.extui %eq3A_81 : i1 to i32
    %cond3A_83 = arith.constant 0 : i32
    %cond3A_84 = arith.cmpi ne, %convert_element_type3A_82, %cond3A_83 : i32
    scf.if %cond3A_84 {
      "tpu.region"() ({
        %run_scoped3A = tpu.sem_alloc : memref<!tpu.dma_semaphore, #tpu.memory_space<semaphore_mem>>
        %dma_start3A_85 = arith.constant 64 : i32
        %dma_start3A_86 = tpu.memref_slice %arg4[%mul3A_0, %dma_start3A_85] : memref<10240x128xf32, #tpu.memory_space<hbm>> -> memref<640x64xf32, #tpu.memory_space<hbm>>
        %dma_start3A_87 = arith.constant 0 : i32
        %dma_start3A_88 = tpu.memref_slice %arg15[%mul3A_0, %dma_start3A_87] : memref<10240x64xf32, #tpu.memory_space<vmem_shared>> -> memref<640x64xf32, #tpu.memory_space<vmem_shared>>
        tpu.enqueue_dma source(%dma_start3A_88 : memref<640x64xf32, #tpu.memory_space<vmem_shared>>) target(%dma_start3A_86 : memref<640x64xf32, #tpu.memory_space<hbm>>) target_semaphore(%run_scoped3A : memref<!tpu.dma_semaphore, #tpu.memory_space<semaphore_mem>>)
        %dma_wait3A_89 = arith.constant 64 : i32
        %dma_wait3A_90 = tpu.memref_slice %arg4[%mul3A_0, %dma_wait3A_89] : memref<10240x128xf32, #tpu.memory_space<hbm>> -> memref<640x64xf32, #tpu.memory_space<hbm>>
        %dma_wait3A_91 = arith.constant 0 : i32
        %dma_wait3A_92 = tpu.memref_slice %arg15[%mul3A_0, %dma_wait3A_91] : memref<10240x64xf32, #tpu.memory_space<vmem_shared>> -> memref<640x64xf32, #tpu.memory_space<vmem_shared>>
        tpu.wait_dma2 semaphore(%run_scoped3A : memref<!tpu.dma_semaphore, #tpu.memory_space<semaphore_mem>>) src(%dma_wait3A_92 : memref<640x64xf32, #tpu.memory_space<vmem_shared>>) dst(%dma_wait3A_90 : memref<640x64xf32, #tpu.memory_space<hbm>>)
        tpu.yield
      }) : () -> ()
    } else {
    }
    return
  }
}

module attributes {stable_mosaic.version = 14 : i64} {
  func.func @body(%arg0: i32, %arg1: memref<1000x128xf32, #tpu.memory_space<vmem>>, %arg2: memref<1000x16xf32, #tpu.memory_space<vmem>>, %arg3: memref<128x128xf32, #tpu.memory_space<vmem>>, %arg4: memref<1000x128xf32, #tpu.memory_space<vmem>>) attributes {dimension_semantics = [#tpu.dimension_semantics<arbitrary>], iteration_bounds = array<i64: 10>, scalar_prefetch = 0 : i64, scratch_operands = 0 : i64, tpu.core_type = #tpu.core_type<tc>, window_params = [{transform_indices = @transform_0, window_bounds = array<i64: 1000, 128>}, {transform_indices = @transform_1, window_bounds = array<i64: 1000, 16>}, {pipeline_mode = #tpu.pipeline_mode<synchronous>, transform_indices = @transform_2, window_bounds = array<i64: 128, 128>}, {transform_indices = @transform_3, window_bounds = array<i64: 1000, 128>}]} {
    %get3A = arith.constant 0 : index
    %get3A_0 = arith.constant 0 : index
    %get3A_1 = vector.load %arg1[%get3A, %get3A_0] : memref<1000x128xf32, #tpu.memory_space<vmem>>, vector<1000x128xf32>
    %get3A_2 = arith.constant 0 : index
    %get3A_3 = arith.constant 0 : index
    %get3A_4 = vector.load %arg2[%get3A_2, %get3A_3] : memref<1000x16xf32, #tpu.memory_space<vmem>>, vector<1000x1xf32>
    %max3A = arith.constant 1.000000e+00 : f32
    %max3A_5 = vector.broadcast %max3A : f32 to vector<1000x1xf32>
    %max3A_6 = arith.maximumf %get3A_4, %max3A_5 : vector<1000x1xf32>
    %div3A = vector.broadcast %max3A_6 : vector<1000x1xf32> to vector<1000x128xf32>
    %div3A_7 = arith.divf %get3A_1, %div3A : vector<1000x128xf32>
    %get3A_8 = arith.constant 0 : index
    %get3A_9 = arith.constant 0 : index
    %get3A_10 = vector.load %arg3[%get3A_8, %get3A_9] : memref<128x128xf32, #tpu.memory_space<vmem>>, vector<128x128xf32>
    %dot_general3A = arith.constant dense<0.000000e+00> : vector<1000x128xf32>
    %dot_general3A_11 = tpu.matmul %div3A_7, %get3A_10, %dot_general3A {dimension_numbers = #tpu.dot_dimension_numbers<[1], [0], [0], [1], [0, 0, 1, 1], [], []>, transpose_lhs_hint = false} : vector<1000x128xf32>, vector<128x128xf32>, vector<1000x128xf32> -> vector<1000x128xf32>
    %max3A_12 = arith.constant 0.000000e+00 : f32
    %max3A_13 = vector.broadcast %max3A_12 : f32 to vector<1000x128xf32>
    %max3A_14 = arith.maximumf %dot_general3A_11, %max3A_13 : vector<1000x128xf32>
    %swap3A = arith.constant 0 : index
    %swap3A_15 = arith.constant 0 : index
    %swap3A_16 = vector.load %arg4[%swap3A, %swap3A_15] : memref<1000x128xf32, #tpu.memory_space<vmem>>, vector<1000x128xf32>
    tpu.vector_store %arg4[%swap3A, %swap3A_15], %max3A_14 {strides = array<i32>} : memref<1000x128xf32, #tpu.memory_space<vmem>>, vector<1000x128xf32>,
    return
  }
  func.func @transform_0(%arg0: i32) -> (i32, i32) {
    %c0_i32 = arith.constant 0 : i32
    %c0_i32_0 = arith.constant 0 : i32
    return %arg0, %c0_i32 : i32, i32
  }
  func.func @transform_1(%arg0: i32) -> (i32, i32) {
    %c0_i32 = arith.constant 0 : i32
    %c0_i32_0 = arith.constant 0 : i32
    return %arg0, %c0_i32 : i32, i32
  }
  func.func @transform_2(%arg0: i32) -> (i32, i32) {
    %c0_i32 = arith.constant 0 : i32
    %c0_i32_0 = arith.constant 0 : i32
    %c0_i32_1 = arith.constant 0 : i32
    return %c0_i32, %c0_i32_0 : i32, i32
  }
  func.func @transform_3(%arg0: i32) -> (i32, i32) {
    %c0_i32 = arith.constant 0 : i32
    %c0_i32_0 = arith.constant 0 : i32
    return %arg0, %c0_i32 : i32, i32
  }
}

</mosaic_0001>

<sc_bundles>
// kernel: kernel.4.cloned.1.call-start
scs
__scs_entry_jumppad:
0x0: {  	(pc) =	sbr.rel $0x88, $3  }
0x1: {  	(tag) =	ssettag $0x0;
	lr =	simm.s32 $0x1  }
0x2: {  	[smem:$0x3F9E] =	sst lr;
	_ =	strace $0xD0000000  }
0x3: {  	_ = 	snop  }
0x4: {  	_ = 	snop  }
0x5: {  	_ = 	snop  }
0x6: {  	_ = 	snop  }
0x7: {  	_ = 	snop  }
__scs_overlays_trampoline_lowered:
0x8: {  	[smem:$0x3FAD] =	sst s0  }
0x9: {  	[smem:$0x3FAE] =	sst s1  }
0xa: {  	[smem:$0x3FAF] =	sst s2  }
0xb: {  	[smem:$0x3FB0] =	sst s3  }
0xc: {  	[smem:$0x3FB1] =	sst s4  }
0xd: {  	[smem:$0x3FB2] =	sst s5  }
0xe: {  	[smem:$0x3FB3] =	sst s6  }
0xf: {  	[smem:$0x3FB4] =	sst s7  }
0x10: {  	[smem:$0x3FB5] =	sst s8  }
0x11: {  	[smem:$0x3FB6] =	sst s9;
	s0 =	simm.s32 @!p0 $0x0  }
0x12: {  	s1 =	sld [smem:$0x3F9C];
	s0 =	simm.s32 @p0 $0x1  }
0x13: {  	[smem:$0x3FB7] =	sst s0;
	s0 =	simm.s32 @!p1 $0x0  }
0x14: {  	s2 =	sld [smem:$0x3F9B];
	s0 =	simm.s32 @p1 $0x1  }
0x15: {  	[smem:$0x3FB8] =	sst s0;
	s0 =	simm.s32 @!p2 $0x0  }
0x16: {  	s3 =	sld [smem:$0x3FDB];
	s0 =	simm.s32 @p2 $0x1  }
0x17: {  	s4 =	simm.s32 $0x1BF5;
	[smem:$0x3FBA] =	sst s0  }
0x18: {  	s0 =	sld [smem:$0x3F9D];
	_ =	swait.ge [sflag:s4], $0x0  }
0x19: {  	s7 =	sld [smem:$0x3F9E]  }
0x1a: {  	s8 =	sadd.s32 $0xFFFFE003, lr  }
0x1b: {  	s9 =	sadd.s32 $0xFFFFFEF7, lr;
	s5 =	simm.s32 $0xFFFFFFFF;
	p2 =	slt.u32 s8, $0xFFFFF086  }
0x1c: {  	p1 =	slt.u32 s9, $0xF7A;
	s5 =	simm.s32 @!p2 $0x0  }
0x1d: {  	s5 =	simm.s32 @p1 $0x1;
	p0 =	seq.s32 s7, s2  }
0x1e: {  	s7 =	smul.u32 @!p0 $0xF7A, s2;
	p2 =	seq.s32 @!p0 s5, $0x0  }
0x1f: {  	s9 =	smul.u32 $0xF7A, s1;
	s8 =	simm.s32 @!p0 $0x1BF5;
	p2 =	por !p2, p0  }
0x20: {  	[sflag:s8] =	ssyncset.s32 @!p0 $0xFFFFF086;
	s6 =	sadd.s32 @!p0 s3, s7;
	s7 =	simm.s32 @!p0 $0x108  }
0x21: {  	s3 =	sadd.s32 s3, s9;
	s6 =	sadd.s32 @!p0 $0x88, s6;
	s7 =	simm.s32 @p2 $0x1082  }
0x22: {  	[simem:s7], [sflag:s8] =	dma.local @!p0 [hbm:s6], $0xF7A  }
0x23: {  	s9 =	sor.u32 $0xD0000000, s2;
	s6 =	simm.s32 $0x108;
	_ =	swait.ge @!p0 [sflag:s8], $0x0  }
0x24: {  	s3 =	sadd.s32 $0x88, s3;
	s6 =	simm.s32 @!p1 $0x1082;
	[sflag:s4] =	ssyncset.s32 $0xFFFFF086  }
0x25: {  	[simem:s6], [sflag:s4] =	dma.local [hbm:s3], $0xF7A  }
0x26: {  	[smem:$0x3F9E] =	sst s1;
	(tag) =	ssettag s2;
	_ =	strace s9  }
0x27: {  	s1 =	sld [smem:$0x3FAE]  }
0x28: {  	s2 =	sld [smem:$0x3FAF]  }
0x29: {  	s4 =	sld [smem:$0x3FB1]  }
0x2a: {  	p0 =	seq.s32 s5, $0x0;
	s5 =	sld [smem:$0x3FB2]  }
0x2b: {  	s6 =	sld [smem:$0x3FB3]  }
0x2c: {  	s7 =	sld [smem:$0x3FB4]  }
0x2d: {  	s3 =	simm.s32 $0x108;
	s8 =	sld [smem:$0x3FB5]  }
0x2e: {  	s3 =	simm.s32 @!p0 $0x1082;
	s9 =	sld [smem:$0x3FB6]  }
0x2f: {  	lr =	sadd.s32 s0, s3;
	s0 =	sld [smem:$0x3FAD]  }
0x30: {  	s3 =	sld [smem:$0x3FB0]  }
0x31: {  	[smem:$0x3FB9] =	sst s10  }
0x32: {  	s10 =	sld [smem:$0x3FB7];
	_ =	sdelay $0x3  }
0x33: {  	p0 =	seq.s32 s10, $0x1;
	s10 =	sld [smem:$0x3FB9];
	_ =	sdelay $0x3  }
0x34: {  	[smem:$0x3FB9] =	sst s10  }
0x35: {  	s10 =	sld [smem:$0x3FB8];
	_ =	sdelay $0x3  }
0x36: {  	p1 =	seq.s32 s10, $0x1;
	s10 =	sld [smem:$0x3FB9];
	_ =	sdelay $0x3  }
0x37: {  	[smem:$0x3FB9] =	sst s10  }
0x38: {  	s10 =	sld [smem:$0x3FBA]  }
0x39: {  	_ = 	snop;
	(pc) =	sbr.ind lr, $3  }
0x3a: {  	_ = 	snop  }
0x3b: {  	_ = 	snop  }
0x3c: {  	p2 =	seq.s32 s10, $0x1;
	s10 =	sld [smem:$0x3FB9]  }
0x3d: {  	_ =	shalt  }
0x3e: {  	_ =	shalt  }
0x3f: {  	_ =	shalt  }
0x40: {  	_ =	shalt  }
0x41: {  	_ =	shalt  }
0x42: {  	_ =	shalt  }
0x43: {  	_ =	shalt  }
0x44: {  	_ =	shalt  }
0x45: {  	_ =	shalt  }
0x46: {  	_ =	shalt  }
0x47: {  	_ =	shalt  }
0x48: {  	_ =	shalt  }
0x49: {  	_ =	shalt  }
0x4a: {  	_ =	shalt  }
0x4b: {  	_ =	shalt  }
0x4c: {  	_ =	shalt  }
0x4d: {  	_ =	shalt  }
0x4e: {  	_ =	shalt  }
0x4f: {  	_ =	shalt  }
0x50: {  	_ =	shalt  }
0x51: {  	_ =	shalt  }
0x52: {  	_ =	shalt  }
0x53: {  	_ =	shalt  }
0x54: {  	_ =	shalt  }
0x55: {  	_ =	shalt  }
0x56: {  	_ =	shalt  }
0x57: {  	_ =	shalt  }
0x58: {  	_ =	shalt  }
0x59: {  	_ =	shalt  }
0x5a: {  	_ =	shalt  }
0x5b: {  	_ =	shalt  }
0x5c: {  	_ =	shalt  }
0x5d: {  	_ =	shalt  }
0x5e: {  	_ =	shalt  }
0x5f: {  	_ =	shalt  }
0x60: {  	_ =	shalt  }
0x61: {  	_ =	shalt  }
0x62: {  	_ =	shalt  }
0x63: {  	_ =	shalt  }
0x64: {  	_ =	shalt  }
0x65: {  	_ =	shalt  }
0x66: {  	_ =	shalt  }
0x67: {  	_ =	shalt  }
0x68: {  	_ =	shalt  }
0x69: {  	_ =	shalt  }
0x6a: {  	_ =	shalt  }
0x6b: {  	_ =	shalt  }
0x6c: {  	_ =	shalt  }
0x6d: {  	_ =	shalt  }
0x6e: {  	_ =	shalt  }
0x6f: {  	_ =	shalt  }
0x70: {  	_ =	shalt  }
0x71: {  	_ =	shalt  }
0x72: {  	_ =	shalt  }
0x73: {  	_ =	shalt  }
0x74: {  	_ =	shalt  }
0x75: {  	_ =	shalt  }
0x76: {  	_ =	shalt  }
0x77: {  	_ =	shalt  }
0x78: {  	_ =	shalt  }
0x79: {  	_ =	shalt  }
0x7a: {  	_ =	shalt  }
0x7b: {  	_ =	shalt  }
0x7c: {  	_ =	shalt  }
0x7d: {  	_ =	shalt  }
0x7e: {  	_ =	shalt  }
0x7f: {  	_ =	shalt  }
0x80: {  	_ =	shalt  }
0x81: {  	_ =	shalt  }
0x82: {  	_ =	shalt  }
0x83: {  	_ =	shalt  }
0x84: {  	_ =	shalt  }
0x85: {  	_ =	shalt  }
0x86: {  	_ =	shalt  }
0x87: {  	_ =	shalt  }
.Lfunc_end0:
.L_simem_size_0:
called_computation_lowered:
.L_overlay_start_0:
0x88: {  	s2 =	sld [smem:$0x3FD9]  }
0x89: {  	s3 =	sld [smem:$0x3FFE];
	_ =	sdelay $0x1  }
0x8a: {  	s1 =	srdreg.scid  }
0x8b: {  	s0 =	sand.u32 $0x1, s1  }
0x8c: {  	s17 =	sshll.u32 s0, $0xA;
	s2 =	sadd.s32 s3, s2  }
0x8d: {  	s2 =	sadd.s32 s2, s17  }
0x8e: {  	[smem:$0x3FC5] =	sst s2  }
0x8f: {  	_ = 	snop  }
0x90: {  	s2 =	sld [smem:$0x3FD0];
	(tm) =	ssettm $0x1  }
0x91: {  	s18 =	sld [smem:$0x3FFB];
	_ =	sdelay $0x3  }
0x92: {  	_ =	strace s18  }
0x93: {  	s3 =	sld [smem:$0x3FFC];
	_ =	sdelay $0x3  }
0x94: {  	_ =	strace s3  }
0x95: {  	s3 =	sld [smem:$0x3FFD];
	_ =	sdelay $0x3  }
0x96: {  	_ =	strace s3  }
0x97: {  	_ =	strace $0x8FFFFFFF  }
0x98: {  	s19 =	sld [smem:$0x3FDB];
	_ =	sdelay $0x1  }
0x99: {  	s4 =	simm.s32 $_scs_section_size  }
0x9a: {  	s5 =	simm.s32 $_size__tile_overlayer_lowered;
	s6 =	simm.s32 $_tile_overlayer_lowered  }
0x9b: {  	s22 =	simm.s32 $0x1BFF;
	s21 =	sshll.u32 s6, $0x1;
	s3 =	sadd.s32 s4, s19  }
0x9c: {  	s7 =	simm.s32 $0x0;
	s20 =	sshll.u32 s5, $0x1;
	s5 =	sadd.s32 s21, s3  }
0x9d: {  	[timem:s7], [sflag:s22] =	dma.local [hbm:s5], s20  }
0x9e: {  	_ =	swait.ge [sflag:s22], s20  }
0x9f: {  	s4 =	ssub.s32 $0x0, s20;
	[sflag:s22] =	ssyncset.done $0x0  }
0xa0: {  	[sflag:s22] =	ssyncadd.s32 s4;
	_ =	sdelay $0x1  }
0xa1: {  	s23 =	simm.s32 $0x1B8B  }
0xa2: {  	_ =	swait.ge [sflag:s23], $0x1  }
0xa3: {  	[sflag:s23] =	ssyncset.done $0x0  }
0xa4: {  	s25 =	simm.s32 $0x1B8E;
	s24 =	sld [smem:$0x3FFE];
	[sflag:s23] =	ssyncadd.s32 $0xFFFFFFFF  }
0xa5: {  	s26 =	simm.s32 $execute0_lowered;
	[smem:$0x3FD2] =	sst s25  }
0xa6: {  	s5 =	sshll.u32 s26, $0x1;
	_ =	strace $0x80000046;
	[dreg:$0x1] =	wrdreg $0xFFFFFFFF  }
0xa7: {  	s28 =	simm.s32 $_size_execute0_lowered;
	s3 =	sadd.s32 s3, s5;
	[dreg:$0x0] =	wrdreg $0x0  }
0xa8: {  	s5 =	sshll.u32 s28, $0x1;
	[dreg:$0x2] =	wrdreg s3  }
0xa9: {  	[dreg:$0x3] =	wrdreg s5  }
0xaa: {  	[dreg:$0x4] =	wrdreg $0xC0  }
0xab: {  	_ =	task [dreg:s7], $0x5FFFF  }
0xac: {  	[dreg:$0x1] =	wrdreg $0xFFFFFFFF  }
0xad: {  	[dreg:$0x0] =	wrdreg $0x60  }
0xae: {  	[dreg:$0x2] =	wrdreg s24  }
0xaf: {  	[dreg:$0x3] =	wrdreg s2  }
0xb0: {  	[dreg:$0x4] =	wrdreg $0x10D400  }
0xb1: {  	[dreg:$0x5] =	wrdreg $0x1AD400  }
0xb2: {  	[dreg:$0x6] =	wrdreg $0x9  }
0xb3: {  	_ =	task.clear_ibuf [dreg:s7], $0x7FFFF;
	_ =	strace $0x90000046  }
0xb4: {  	s29 =	simm.s32 $0x9;
	_ =	strace $0x80000048  }
0xb5: {  	_ =	swait.ge [sflag:s29], $0x1  }
0xb6: {  	[sflag:s29] =	ssyncadd.s32 $0xFFFFFFFF  }
0xb7: {  	_ =	strace $0x90000048  }
0xb8: {  	_ =	sfence  }
0xb9: {  	s30 =	sld [smem:$0x0];
	_ =	sdelay $0x2  }
0xba: {  	s31 =	sshll.u32 s1, $0xD;
	s1 =	sshrl.u32 s1, $0x2  }
0xbb: {  	s3 =	sand.u32 $0x4000, s31;
	s1 =	sadd.s32 s1, s30  }
0xbc: {  	s0 =	sor.u32 s3, s0;
	s1 =	sshll.u32 s1, $0x11  }
0xbd: {  	s0 =	sor.u32 s1, s0  }
0xbe: {  	s0 =	sadd.s32 $0x8F2B, s0  }
0xbf: {  	[sflag:s0] =	ssyncadd.remote.s32 $0x1  }
0xc0: {  	_ =	sfence.sel $0xFFFF  }
0xc1: {  	[dreg:$0x0] =	wrdreg $0xFFFFFFFF;
	(pc) =	sbr.abs _section_cstart, $3  }
0xc2: {  	[dreg:$0x1] =	wrdreg $0xFFFFFFFF  }
0xc3: {  	_ =	task.clear_ibuf [dreg:s7], $0x2FFFF;
	_ =	strace $0x9FFFFFFF  }
0xc4: {  	(tm) =	ssettm $0x7FFFFFFF  }
0xc5: {  	_ =	shalt  }
tec
execute0_lowered:
.L_overlay_start_1:
0x0: {  	(tag) =	ssettag $0x1  }
0x1: {  	s0 =	rddreg [dreg:$0x0]  }
0x2: {  	s1 =	rddreg [dreg:$0x1]  }
0x3: {  	s3 =	rddreg [dreg:$0x2]  }
0x4: {  	s4 =	rddreg [dreg:$0x3];
	s12 =	stileid.u32  }
0x5: {  	s2 =	simm.s32 $0x0;
	s6 =	srdreg.scid;
	s23 =	smul.u32 $0x4E20, s12  }
0x6: {  	s28 =	simm.s32 $0x4E20;
	s29 =	simm.s32 $0xF140;
	s5 =	smul.u32 $0x2800, s12  }
0x7: {  	s30 =	simm.s32 $0x4;
	s31 =	simm.s32 $0x10540;
	s11 =	smul.u32 $0xA000, s12  }
0x8: {  	[smem:$0x7FF] =	sst s2;
	s6 =	sand.u32 $0x1, s6;
	s12 =	smul.u32 $0x28000, s12  }
0x9: {  	_ =	strace $0x80000047;
	s8 =	ssub.s32 $0x2, s6;
	p0 =	sne.s32 s6, $0x0  }
0xa: {  	s2 =	sshrl.u32 s23, $0x3;
	s7 =	sadd.s32 s5, s0;
	s9 =	sshrl.u32 s5, $0x3  }
0xb: {  	s10 =	sshrl.u32 s8, $0x1;
	s26 =	sshrl.u32 s12, $0x2;
	s12 =	sadd.s32 $0x19A08, s7  }
0xc: {  	s2 =	sadd.s32 s2, s0;
	s13 =	sadd.s32 $0x19A00, s7;
	[dreg:$0x7] =	wrdreg s12  }
0xd: {  	s25 =	sshrl.u32 s11, $0x2;
	s24 =	sadd.s32 $0x1000, s2;
	[dreg:$0x8] =	wrdreg s13  }
0xe: {  	s0 =	sadd.s32 s9, s0;
	s2 =	sadd.s32 $0xAC40, s2;
	[dreg:$0x5] =	wrdreg s24  }
0xf: {  	s10 =	ssub.s32 s8, s10;
	s0 =	sadd.s32 $0x14A00, s0;
	[dreg:$0x6] =	wrdreg s2  }
0x10: {  	s11 =	sadd.s32 s26, s3;
	s15 =	smax.u32 s10, $0x1;
	[dreg:$0x9] =	wrdreg s0  }
0x11: {  	s6 =	simm.s32 $0x2;
	s16 =	sadd.s32 $0x1400, s11;
	[dreg:$0xa] =	wrdreg s15  }
0x12: {  	s14 =	sadd.s32 s5, s4;
	s17 =	sadd.s32 $0x2800, s11;
	[dreg:$0xb] =	wrdreg s16  }
0x13: {  	s5 =	simm.s32 $0xD840;
	s18 =	sadd.s32 $0x3C00, s11;
	[dreg:$0xc] =	wrdreg s17  }
0x14: {  	s8 =	sadd.s32 s25, s4;
	s19 =	sadd.s32 $0x5000, s11;
	[dreg:$0xd] =	wrdreg s18  }
0x15: {  	s9 =	sadd.s32 $0x13880, s1;
	s20 =	sadd.s32 $0x6400, s11;
	[dreg:$0xe] =	wrdreg s19  }
0x16: {  	s7 =	simm.s32 $0x3;
	s21 =	sadd.s32 $0x7800, s11;
	[dreg:$0x10] =	wrdreg s20  }
0x17: {  	s22 =	sadd.s32 $0x8C00, s11;
	s23 =	sadd.s32 $0x800, s8;
	[dreg:$0x11] =	wrdreg s21  }
0x18: {  	s25 =	sadd.s32 $0x1800, s8;
	s26 =	sadd.s32 $0x2000, s8;
	[dreg:$0x12] =	wrdreg s22  }
0x19: {  	s10 =	simm.s32 $0x50;
	s12 =	simm.s32 $0x9C40;
	[dreg:$0x13] =	wrdreg s23  }
0x1a: {  	s13 =	simm.s32 $0xB040;
	s24 =	sadd.s32 $0x1000, s8;
	[dreg:$0x15] =	wrdreg s25  }
.Ltmp0:
0x1b: {  	s0 =	sshrl.u32 s14, $0x3;
	[dreg:$0x16] =	wrdreg s26;
	(pc) =	sbr.rel .LBB2_1-.Ltmp0, $4  }
0x1c: {  	s25 =	simm.s32 $0xEC40;
	s2 =	simm.s32 $0xC440;
	s19 =	simm.s32 $0x4E70  }
0x1d: {  	s20 =	simm.s32 $0x4EC0;
	s21 =	simm.s32 $0x4F10;
	s22 =	simm.s32 $0x9BA0  }
0x1e: {  	s14 =	simm.s32 $0x4DD0;
	s23 =	simm.s32 $0x9BF0;
	[dreg:$0x14] =	wrdreg s24  }
0x1f: {  	v0 =	vimm.f32 $1.000000000e+00;
	v1 =	vimm.f32 $0.0e+00;
	s15 =	simm.s32 $0x0;
	[dreg:$0xf] =	wrdreg s0;
	s0 =	simm.s32 $0x1  }
.LBB2_13:
0x20: {  	[tilespmem:s13], [sflag:$0x1] =	stream.indirect.gather [hbm4b:s9+s10], $0x40, s17, s10, $0xb8;
	[tilespmem:$0x1D540] =	vst v63  }
0x21: {  	_ =	swait.ge [sflag:s0], $0x1400  }
0x22: {  	[sflag:s0] =	ssyncset.done $0x0  }
0x23: {  	[sflag:s0] =	ssyncadd.s32 $0xFFFFEC00  }
0x24: {  	[spmem:s3] =	stream.indirect.scatter.add.f32 [tilespmem:s12], [sflag:$0x2], $0x40, s22, s10, $0xb8;
	[tilespmem:$0x1D540] =	vst v63  }
0x25: {  	_ =	swait.ge [sflag:s6], $0x1400  }
0x26: {  	[sflag:s6] =	ssyncset.done $0x0  }
0x27: {  	[sflag:s6] =	ssyncadd.s32 $0xFFFFEC00  }
0x28: {  	[tilespmem:s2], [sflag:$0x1] =	stream.indirect.gather [hbm4b:s9+s10], $0x40, s14, s10, $0xb8;
	[tilespmem:$0x1D540] =	vst v63  }
0x29: {  	_ =	swait.ge [sflag:s0], $0x1400  }
0x2a: {  	[sflag:s0] =	ssyncset.done $0x0  }
0x2b: {  	[sflag:s0] =	ssyncadd.s32 $0xFFFFEC00  }
0x2c: {  	[spmem:s3] =	stream.indirect.scatter.add.f32 [tilespmem:s13], [sflag:$0x2], $0x40, s23, s10, $0xb8;
	[tilespmem:$0x1D540] =	vst v63  }
0x2d: {  	_ =	swait.ge [sflag:s6], $0x1400  }
0x2e: {  	[sflag:s6] =	ssyncset.done $0x0  }
0x2f: {  	[sflag:s6] =	ssyncadd.s32 $0xFFFFEC00  }
0x30: {  	[tilespmem:s5], [sflag:$0x1] =	stream.indirect.gather [hbm4b:s9+s10], $0x40, s14, s10, $0xb8;
	[tilespmem:$0x1D540] =	vst v63  }
0x31: {  	_ =	swait.ge [sflag:s6], $0x1400  }
0x32: {  	[sflag:s6] =	ssyncset.done $0x0  }
0x33: {  	[sflag:s6] =	ssyncadd.s32 $0xFFFFEC00  }
0x34: {  	_ =	swait.ge [sflag:s6], $0x1400  }
0x35: {  	[sflag:s6] =	ssyncset.done $0x0  }
0x36: {  	[sflag:s6] =	ssyncadd.s32 $0xFFFFEC00  }
0x37: {  	_ =	swait.ge [sflag:s0], $0x1400  }
0x38: {  	[sflag:s0] =	ssyncset.done $0x0  }
0x39: {  	[sflag:s0] =	ssyncadd.s32 $0xFFFFEC00  }
0x3a: {  	_ =	swait.ge [sflag:s0], $0x1400  }
0x3b: {  	[sflag:s0] =	ssyncset.done $0x0  }
0x3c: {  	s16 =	stileid.u32;
	s17 =	sshrl.u32 s11, $0x3;
	[sflag:s0] =	ssyncadd.s32 $0xFFFFEC00  }
0x3d: {  	s24 =	simm.s32 $0x10;
	s16 =	sshll.u32 s16, $0x6;
	[bflag:$0x0] =	sbarrier.arrive $0xFFFF  }
0x3e: {  	s26 =	simm.s32 $0x8;
	s16 =	sor.u32 $0x1C04, s16;
	s18 =	rddreg [dreg:$0x7]  }
0x3f: {  	[hbm:s18@s24], [sflag:s16] =	dma.strided [spmem:s17@s26], $0x1400, s0, $0x8   }
0x40: {  	_ =	swait.ge [sflag:s30], $0x1400  }
0x41: {  	[sflag:s30] =	ssyncset.done $0x0  }
0x42: {  	[sflag:s30] =	ssyncadd.s32 $0xFFFFEC00  }
.LBB2_14:
0x43: {  	s15 =	sadd.s32 $0x1, s15;
	s16 =	rddreg [dreg:$0xa]  }
0x44: {  	p1 =	sne.s32 s15, s16  }
.Ltmp1:
0x45: {  	_ = 	snop;
	(pc) =	sbr.rel @!p1 .LBB2_15-.Ltmp1, $1  }
0x46: {  	_ =	sdelay $0x3  }
.LBB2_1:
0x47: {  	s16 =	simm.s32 $0x0;
	s17 =	rddreg [dreg:$0x5]  }
0x48: {  	[tilespmem:s16], [sflag:$0x1] =	stream.linear.gather [hbm4b:s17+s16], $0x4E20, $0x38;
	[tilespmem:$0x1D540] =	vst v63  }
0x49: {  	s26 =	rddreg [dreg:$0x6]  }
0x4a: {  	[tilespmem:s28], [sflag:$0x1] =	stream.linear.gather [hbm4b:s26+s16], $0x4E20, $0x38;
	[tilespmem:$0x1D540] =	vst v63  }
0x4b: {  	s17 =	simm.s32 $0x0;
	s16 =	simm.s32 $0x40  }
.LBB2_2:
0x4c: {  	p1 =	sne.s32 s16, $0x13C0;
	[tilespmem:s17+$0xEC40] =	vst v0;
	s17 =	smov.u32 s16;
	s16 =	sadd.s32 $0x40, s16  }
.Ltmp2:
0x4d: {  	(pc) =	sbr.rel @p1 .LBB2_2-.Ltmp2, $2  }
0x4e: {  	_ =	sdelay $0x2  }
0x4f: {  	s17 =	sshra.s32 s17, $0x2  }
0x50: {  	s16 =	simm.s32 $0x0  }
0x51: {  	s18 =	sand.u32 $0x7FC0, s16  }
0x52: {  	[tilespmem:s17+$0xEC40] =	vst v0;
	s16 =	simm.s32 $0x40;
	s17 =	sshrl.u32 s18, $0x2  }
.LBB2_4:
0x53: {  	p1 =	sne.s32 s16, $0x4FC0;
	[tilespmem:s17+$0xF140] =	vst v1;
	s17 =	smov.u32 s16;
	s16 =	sadd.s32 $0x40, s16  }
.Ltmp3:
0x54: {  	(pc) =	sbr.rel @p1 .LBB2_4-.Ltmp3, $3  }
0x55: {  	_ =	sdelay $0x1  }
0x56: {  	s17 =	sand.u32 $0x7FC0, s17  }
0x57: {  	s17 =	sshrl.u32 s17, $0x2  }
0x58: {  	[tilespmem:s17+$0xF140] =	vst v1;
	s16 =	simm.s32 $0x40;
	s17 =	simm.s32 $0x0  }
.LBB2_6:
0x59: {  	p1 =	sne.s32 s16, $0x1FC0;
	[tilespmem:s17+$0x10540] =	vst v1;
	s17 =	smov.u32 s16;
	s16 =	sadd.s32 $0x40, s16  }
.Ltmp4:
0x5a: {  	(pc) =	sbr.rel @p1 .LBB2_6-.Ltmp4, $2  }
0x5b: {  	_ =	sdelay $0x2  }
0x5c: {  	s17 =	sshra.s32 s17, $0x2  }
0x5d: {  	[tilespmem:s17+$0x10540] =	vst v1  }
0x5e: {  	[spmem:s11] =	stream.linear.scatter [tilespmem:s29], [sflag:$0x4], $0x1400, $0x38;
	[tilespmem:$0x1D540] =	vst v63  }
0x5f: {  	_ =	swait.ge [sflag:s30], $0x1400  }
0x60: {  	[sflag:s30] =	ssyncset.done $0x0  }
0x61: {  	s16 =	rddreg [dreg:$0xb];
	[sflag:s30] =	ssyncadd.s32 $0xFFFFEC00  }
0x62: {  	[spmem:s16] =	stream.linear.scatter [tilespmem:s29], [sflag:$0x4], $0x1400, $0x38;
	[tilespmem:$0x1D540] =	vst v63  }
0x63: {  	_ =	swait.ge [sflag:s30], $0x1400  }
0x64: {  	[sflag:s30] =	ssyncset.done $0x0  }
0x65: {  	s24 =	rddreg [dreg:$0xc];
	[sflag:s30] =	ssyncadd.s32 $0xFFFFEC00  }
0x66: {  	[spmem:s24] =	stream.linear.scatter [tilespmem:s29], [sflag:$0x4], $0x1400, $0x38;
	[tilespmem:$0x1D540] =	vst v63  }
0x67: {  	_ =	swait.ge [sflag:s30], $0x1400  }
0x68: {  	[sflag:s30] =	ssyncset.done $0x0  }
0x69: {  	s26 =	rddreg [dreg:$0xd];
	[sflag:s30] =	ssyncadd.s32 $0xFFFFEC00  }
0x6a: {  	[spmem:s26] =	stream.linear.scatter [tilespmem:s29], [sflag:$0x4], $0x1400, $0x38;
	[tilespmem:$0x1D540] =	vst v63  }
0x6b: {  	_ =	swait.ge [sflag:s30], $0x1400  }
0x6c: {  	[sflag:s30] =	ssyncset.done $0x0  }
0x6d: {  	s17 =	rddreg [dreg:$0xe];
	[sflag:s30] =	ssyncadd.s32 $0xFFFFEC00  }
0x6e: {  	[spmem:s17] =	stream.linear.scatter [tilespmem:s29], [sflag:$0x4], $0x1400, $0x38;
	[tilespmem:$0x1D540] =	vst v63  }
0x6f: {  	_ =	swait.ge [sflag:s30], $0x1400  }
0x70: {  	[sflag:s30] =	ssyncset.done $0x0  }
0x71: {  	s18 =	rddreg [dreg:$0x10];
	[sflag:s30] =	ssyncadd.s32 $0xFFFFEC00  }
0x72: {  	[spmem:s18] =	stream.linear.scatter [tilespmem:s29], [sflag:$0x4], $0x1400, $0x38;
	[tilespmem:$0x1D540] =	vst v63  }
0x73: {  	_ =	swait.ge [sflag:s30], $0x1400  }
0x74: {  	[sflag:s30] =	ssyncset.done $0x0  }
0x75: {  	s24 =	rddreg [dreg:$0x11];
	[sflag:s30] =	ssyncadd.s32 $0xFFFFEC00  }
0x76: {  	[spmem:s24] =	stream.linear.scatter [tilespmem:s29], [sflag:$0x4], $0x1400, $0x38;
	[tilespmem:$0x1D540] =	vst v63  }
0x77: {  	_ =	swait.ge [sflag:s30], $0x1400  }
0x78: {  	[sflag:s30] =	ssyncset.done $0x0  }
0x79: {  	s26 =	rddreg [dreg:$0x12];
	[sflag:s30] =	ssyncadd.s32 $0xFFFFEC00  }
0x7a: {  	[spmem:s26] =	stream.linear.scatter [tilespmem:s29], [sflag:$0x4], $0x1400, $0x38;
	[tilespmem:$0x1D540] =	vst v63  }
0x7b: {  	_ =	swait.ge [sflag:s30], $0x1400  }
0x7c: {  	[sflag:s30] =	ssyncset.done $0x0  }
0x7d: {  	[sflag:s30] =	ssyncadd.s32 $0xFFFFEC00  }
0x7e: {  	[spmem:s8] =	stream.linear.scatter [tilespmem:s31], [sflag:$0x4], $0x800, $0x38;
	[tilespmem:$0x1D540] =	vst v63  }
0x7f: {  	_ =	swait.ge [sflag:s30], $0x800  }
0x80: {  	[sflag:s30] =	ssyncset.done $0x0  }
0x81: {  	s17 =	rddreg [dreg:$0x13];
	[sflag:s30] =	ssyncadd.s32 $0xFFFFF800  }
0x82: {  	[spmem:s17] =	stream.linear.scatter [tilespmem:s31], [sflag:$0x4], $0x800, $0x38;
	[tilespmem:$0x1D540] =	vst v63  }
0x83: {  	_ =	swait.ge [sflag:s30], $0x800  }
0x84: {  	[sflag:s30] =	ssyncset.done $0x0  }
0x85: {  	s18 =	rddreg [dreg:$0x14];
	[sflag:s30] =	ssyncadd.s32 $0xFFFFF800  }
0x86: {  	[spmem:s18] =	stream.linear.scatter [tilespmem:s31], [sflag:$0x4], $0x800, $0x38;
	[tilespmem:$0x1D540] =	vst v63  }
0x87: {  	_ =	swait.ge [sflag:s30], $0x800  }
0x88: {  	[sflag:s30] =	ssyncset.done $0x0  }
0x89: {  	s24 =	rddreg [dreg:$0x15];
	[sflag:s30] =	ssyncadd.s32 $0xFFFFF800  }
0x8a: {  	[spmem:s24] =	stream.linear.scatter [tilespmem:s31], [sflag:$0x4], $0x800, $0x38;
	[tilespmem:$0x1D540] =	vst v63  }
0x8b: {  	_ =	swait.ge [sflag:s30], $0x800  }
0x8c: {  	[sflag:s30] =	ssyncset.done $0x0  }
0x8d: {  	s26 =	rddreg [dreg:$0x16];
	[sflag:s30] =	ssyncadd.s32 $0xFFFFF800  }
0x8e: {  	[spmem:s26] =	stream.linear.scatter [tilespmem:s31], [sflag:$0x4], $0x800, $0x38;
	[tilespmem:$0x1D540] =	vst v63  }
0x8f: {  	_ =	swait.ge [sflag:s30], $0x800  }
0x90: {  	[sflag:s30] =	ssyncset.done $0x0  }
0x91: {  	[sflag:s30] =	ssyncadd.s32 $0xFFFFF800  }
0x92: {  	_ =	swait.ge [sflag:s0], $0x4E20  }
0x93: {  	[sflag:s0] =	ssyncset.done $0x0  }
0x94: {  	[sflag:s0] =	ssyncadd.s32 $0xFFFFB1E0  }
.Ltmp5:
0x95: {  	_ =	swait.ge [sflag:s0], $0x4E20;
	(pc) =	sbr.rel @p0 .LBB2_11-.Ltmp5, $4  }
0x96: {  	[sflag:s0] =	ssyncset.done $0x0  }
0x97: {  	[sflag:s0] =	ssyncadd.s32 $0xFFFFB1E0  }
0x98: {  	[bflag:$0x0] =	sbarrier.arrive $0xFFFF  }
0x99: {  	s16 =	simm.s32 $0x0  }
0x9a: {  	[tilespmem:s12], [sflag:$0x1] =	stream.indirect.gather [hbm4b:s1+s10], $0x40, s16, s10, $0xb8;
	[tilespmem:$0x1D540] =	vst v63  }
0x9b: {  	_ = 	snop  }
0x9c: {  	[tilespmem:s13], [sflag:$0x1] =	stream.indirect.gather [hbm4b:s1+s10], $0x40, s10, s10, $0xb8;
	[tilespmem:$0x1D540] =	vst v63  }
0x9d: {  	_ =	swait.ge [sflag:s0], $0x1400  }
0x9e: {  	[sflag:s0] =	ssyncset.done $0x0  }
0x9f: {  	[sflag:s0] =	ssyncadd.s32 $0xFFFFEC00  }
0xa0: {  	[spmem:s3] =	stream.indirect.scatter.add.f32 [tilespmem:s12], [sflag:$0x2], $0x40, s28, s10, $0xb8;
	[tilespmem:$0x1D540] =	vst v63  }
0xa1: {  	_ = 	snop  }
0xa2: {  	[spmem:s4] =	stream.indirect.scatter.add.f32 [tilespmem:s25], [sflag:$0x3], $0x10, s28, s10, $0xb8;
	[tilespmem:$0x1D540] =	vst v63  }
0xa3: {  	s17 =	simm.s32 $0xA0  }
0xa4: {  	[tilespmem:s2], [sflag:$0x1] =	stream.indirect.gather [hbm4b:s1+s10], $0x40, s17, s10, $0xb8;
	[tilespmem:$0x1D540] =	vst v63  }
0xa5: {  	_ =	swait.ge [sflag:s0], $0x1400  }
0xa6: {  	[sflag:s0] =	ssyncset.done $0x0  }
0xa7: {  	s18 =	simm.s32 $0x4E70;
	[sflag:s0] =	ssyncadd.s32 $0xFFFFEC00  }
0xa8: {  	[spmem:s3] =	stream.indirect.scatter.add.f32 [tilespmem:s13], [sflag:$0x2], $0x40, s18, s10, $0xb8;
	[tilespmem:$0x1D540] =	vst v63  }
0xa9: {  	_ = 	snop  }
0xaa: {  	[spmem:s4] =	stream.indirect.scatter.add.f32 [tilespmem:s25], [sflag:$0x3], $0x10, s18, s10, $0xb8;
	[tilespmem:$0x1D540] =	vst v63  }
0xab: {  	s20 =	simm.s32 $0xF0  }
0xac: {  	[tilespmem:s5], [sflag:$0x1] =	stream.indirect.gather [hbm4b:s1+s10], $0x40, s20, s10, $0xb8;
	[tilespmem:$0x1D540] =	vst v63  }
0xad: {  	_ =	swait.ge [sflag:s0], $0x1400  }
0xae: {  	[sflag:s0] =	ssyncset.done $0x0  }
0xaf: {  	s21 =	simm.s32 $0x4EC0;
	[sflag:s0] =	ssyncadd.s32 $0xFFFFEC00  }
0xb0: {  	[spmem:s3] =	stream.indirect.scatter.add.f32 [tilespmem:s2], [sflag:$0x2], $0x40, s21, s10, $0xb8;
	[tilespmem:$0x1D540] =	vst v63  }
0xb1: {  	_ = 	snop  }
0xb2: {  	[spmem:s4] =	stream.indirect.scatter.add.f32 [tilespmem:s25], [sflag:$0x3], $0x10, s21, s10, $0xb8;
	[tilespmem:$0x1D540] =	vst v63  }
0xb3: {  	_ =	swait.ge [sflag:s6], $0x1400  }
0xb4: {  	[sflag:s6] =	ssyncset.done $0x0  }
0xb5: {  	[sflag:s6] =	ssyncadd.s32 $0xFFFFEC00  }
0xb6: {  	_ =	swait.ge [sflag:s7], $0x500  }
0xb7: {  	[sflag:s7] =	ssyncset.done $0x0  }
0xb8: {  	s22 =	simm.s32 $0x140;
	[sflag:s7] =	ssyncadd.s32 $0xFFFFFB00  }
0xb9: {  	[tilespmem:s12], [sflag:$0x1] =	stream.indirect.gather [hbm4b:s1+s10], $0x40, s22, s10, $0xb8;
	[tilespmem:$0x1D540] =	vst v63  }
0xba: {  	_ =	swait.ge [sflag:s0], $0x1400  }
0xbb: {  	[sflag:s0] =	ssyncset.done $0x0  }
0xbc: {  	s23 =	simm.s32 $0x4F10;
	[sflag:s0] =	ssyncadd.s32 $0xFFFFEC00  }
0xbd: {  	[spmem:s3] =	stream.indirect.scatter.add.f32 [tilespmem:s5], [sflag:$0x2], $0x40, s23, s10, $0xb8;
	[tilespmem:$0x1D540] =	vst v63  }
0xbe: {  	_ = 	snop  }
0xbf: {  	[spmem:s4] =	stream.indirect.scatter.add.f32 [tilespmem:s25], [sflag:$0x3], $0x10, s23, s10, $0xb8;
	[tilespmem:$0x1D540] =	vst v63  }
0xc0: {  	_ =	swait.ge [sflag:s6], $0x1400  }
0xc1: {  	[sflag:s6] =	ssyncset.done $0x0  }
0xc2: {  	[sflag:s6] =	ssyncadd.s32 $0xFFFFEC00  }
0xc3: {  	_ =	swait.ge [sflag:s7], $0x500  }
0xc4: {  	[sflag:s7] =	ssyncset.done $0x0  }
0xc5: {  	s24 =	simm.s32 $0x190;
	[sflag:s7] =	ssyncadd.s32 $0xFFFFFB00  }
0xc6: {  	[tilespmem:s13], [sflag:$0x1] =	stream.indirect.gather [hbm4b:s1+s10], $0x40, s24, s10, $0xb8;
	[tilespmem:$0x1D540] =	vst v63  }
0xc7: {  	_ =	swait.ge [sflag:s0], $0x1400  }
0xc8: {  	[sflag:s0] =	ssyncset.done $0x0  }
0xc9: {  	s26 =	simm.s32 $0x4F60;
	[sflag:s0] =	ssyncadd.s32 $0xFFFFEC00  }
0xca: {  	[spmem:s3] =	stream.indirect.scatter.add.f32 [tilespmem:s12], [sflag:$0x2], $0x40, s26, s10, $0xb8;
	[tilespmem:$0x1D540] =	vst v63  }
0xcb: {  	_ = 	snop  }
0xcc: {  	[spmem:s4] =	stream.indirect.scatter.add.f32 [tilespmem:s25], [sflag:$0x3], $0x10, s26, s10, $0xb8;
	[tilespmem:$0x1D540] =	vst v63  }
0xcd: {  	_ =	swait.ge [sflag:s6], $0x1400  }
0xce: {  	[sflag:s6] =	ssyncset.done $0x0  }
0xcf: {  	[sflag:s6] =	ssyncadd.s32 $0xFFFFEC00  }
0xd0: {  	_ =	swait.ge [sflag:s7], $0x500  }
0xd1: {  	[sflag:s7] =	ssyncset.done $0x0  }
0xd2: {  	s17 =	simm.s32 $0x1E0;
	[sflag:s7] =	ssyncadd.s32 $0xFFFFFB00  }
0xd3: {  	[tilespmem:s2], [sflag:$0x1] =	stream.indirect.gather [hbm4b:s1+s10], $0x40, s17, s10, $0xb8;
	[tilespmem:$0x1D540] =	vst v63  }
0xd4: {  	_ =	swait.ge [sflag:s0], $0x1400  }
0xd5: {  	[sflag:s0] =	ssyncset.done $0x0  }
0xd6: {  	s18 =	simm.s32 $0x4FB0;
	[sflag:s0] =	ssyncadd.s32 $0xFFFFEC00  }
0xd7: {  	[spmem:s3] =	stream.indirect.scatter.add.f32 [tilespmem:s13], [sflag:$0x2], $0x40, s18, s10, $0xb8;
	[tilespmem:$0x1D540] =	vst v63  }
0xd8: {  	_ = 	snop  }
0xd9: {  	[spmem:s4] =	stream.indirect.scatter.add.f32 [tilespmem:s25], [sflag:$0x3], $0x10, s18, s10, $0xb8;
	[tilespmem:$0x1D540] =	vst v63  }
0xda: {  	_ =	swait.ge [sflag:s6], $0x1400  }
0xdb: {  	[sflag:s6] =	ssyncset.done $0x0  }
0xdc: {  	[sflag:s6] =	ssyncadd.s32 $0xFFFFEC00  }
0xdd: {  	_ =	swait.ge [sflag:s7], $0x500  }
0xde: {  	[sflag:s7] =	ssyncset.done $0x0  }
0xdf: {  	s22 =	simm.s32 $0x230;
	[sflag:s7] =	ssyncadd.s32 $0xFFFFFB00  }
0xe0: {  	[tilespmem:s5], [sflag:$0x1] =	stream.indirect.gather [hbm4b:s1+s10], $0x40, s22, s10, $0xb8;
	[tilespmem:$0x1D540] =	vst v63  }
0xe1: {  	_ =	swait.ge [sflag:s0], $0x1400  }
0xe2: {  	[sflag:s0] =	ssyncset.done $0x0  }
0xe3: {  	s23 =	simm.s32 $0x5000;
	[sflag:s0] =	ssyncadd.s32 $0xFFFFEC00  }
0xe4: {  	[spmem:s3] =	stream.indirect.scatter.add.f32 [tilespmem:s2], [sflag:$0x2], $0x40, s23, s10, $0xb8;
	[tilespmem:$0x1D540] =	vst v63  }
0xe5: {  	_ = 	snop  }
0xe6: {  	[spmem:s4] =	stream.indirect.scatter.add.f32 [tilespmem:s25], [sflag:$0x3], $0x10, s23, s10, $0xb8;
	[tilespmem:$0x1D540] =	vst v63  }
0xe7: {  	_ =	swait.ge [sflag:s6], $0x1400  }
0xe8: {  	[sflag:s6] =	ssyncset.done $0x0  }
0xe9: {  	[sflag:s6] =	ssyncadd.s32 $0xFFFFEC00  }
0xea: {  	_ =	swait.ge [sflag:s7], $0x500  }
0xeb: {  	[sflag:s7] =	ssyncset.done $0x0  }
0xec: {  	s24 =	simm.s32 $0x280;
	[sflag:s7] =	ssyncadd.s32 $0xFFFFFB00  }
0xed: {  	[tilespmem:s12], [sflag:$0x1] =	stream.indirect.gather [hbm4b:s1+s10], $0x40, s24, s10, $0xb8;
	[tilespmem:$0x1D540] =	vst v63  }
0xee: {  	_ =	swait.ge [sflag:s0], $0x1400  }
0xef: {  	[sflag:s0] =	ssyncset.done $0x0  }
0xf0: {  	s26 =	simm.s32 $0x5050;
	[sflag:s0] =	ssyncadd.s32 $0xFFFFEC00  }
0xf1: {  	[spmem:s3] =	stream.indirect.scatter.add.f32 [tilespmem:s5], [sflag:$0x2], $0x40, s26, s10, $0xb8;
	[tilespmem:$0x1D540] =	vst v63  }
0xf2: {  	_ = 	snop  }
0xf3: {  	[spmem:s4] =	stream.indirect.scatter.add.f32 [tilespmem:s25], [sflag:$0x3], $0x10, s26, s10, $0xb8;
	[tilespmem:$0x1D540] =	vst v63  }
0xf4: {  	_ =	swait.ge [sflag:s6], $0x1400  }
0xf5: {  	[sflag:s6] =	ssyncset.done $0x0  }
0xf6: {  	[sflag:s6] =	ssyncadd.s32 $0xFFFFEC00  }
0xf7: {  	s19 =	simm.s32 $0x4E70;
	_ =	swait.ge [sflag:s7], $0x500  }
0xf8: {  	s16 =	simm.s32 $0x500;
	s20 =	simm.s32 $0x4EC0;
	[sflag:s7] =	ssyncset.done $0x0  }
0xf9: {  	s21 =	simm.s32 $0x4F10;
	s17 =	simm.s32 $0x2D0;
	[sflag:s7] =	ssyncadd.s32 $0xFFFFFB00  }
.LBB2_9:
0xfa: {  	[tilespmem:s13], [sflag:$0x1] =	stream.indirect.gather [hbm4b:s1+s10], $0x40, s17, s10, $0xb8;
	[tilespmem:$0x1D540] =	vst v63  }
0xfb: {  	s17 =	smov.u32 s16  }
0xfc: {  	p1 =	sne.s32 s16, $0x12C00;
	s16 =	sadd.s32 $0x500, s16;
	_ =	swait.ge [sflag:s0], $0x1400  }
0xfd: {  	s17 =	sshra.s32 s17, $0x2;
	[sflag:s0] =	ssyncset.done $0x0  }
0xfe: {  	s18 =	sadd.s32 $0x4F60, s17;
	[sflag:s0] =	ssyncadd.s32 $0xFFFFEC00  }
0xff: {  	[spmem:s3] =	stream.indirect.scatter.add.f32 [tilespmem:s12], [sflag:$0x2], $0x40, s18, s10, $0xb8;
	[tilespmem:$0x1D540] =	vst v63  }
0x100: {  	_ = 	snop  }
0x101: {  	[spmem:s4] =	stream.indirect.scatter.add.f32 [tilespmem:s25], [sflag:$0x3], $0x10, s18, s10, $0xb8;
	[tilespmem:$0x1D540] =	vst v63  }
0x102: {  	_ =	swait.ge [sflag:s6], $0x1400  }
0x103: {  	[sflag:s6] =	ssyncset.done $0x0  }
0x104: {  	[sflag:s6] =	ssyncadd.s32 $0xFFFFEC00  }
0x105: {  	_ =	swait.ge [sflag:s7], $0x500  }
0x106: {  	[sflag:s7] =	ssyncset.done $0x0  }
0x107: {  	s18 =	sadd.s32 $0x1E0, s17;
	[sflag:s7] =	ssyncadd.s32 $0xFFFFFB00  }
0x108: {  	[tilespmem:s2], [sflag:$0x1] =	stream.indirect.gather [hbm4b:s1+s10], $0x40, s18, s10, $0xb8;
	[tilespmem:$0x1D540] =	vst v63  }
0x109: {  	_ =	swait.ge [sflag:s0], $0x1400  }
0x10a: {  	[sflag:s0] =	ssyncset.done $0x0  }
0x10b: {  	s18 =	sadd.s32 $0x4FB0, s17;
	[sflag:s0] =	ssyncadd.s32 $0xFFFFEC00  }
0x10c: {  	[spmem:s3] =	stream.indirect.scatter.add.f32 [tilespmem:s13], [sflag:$0x2], $0x40, s18, s10, $0xb8;
	[tilespmem:$0x1D540] =	vst v63  }
0x10d: {  	_ = 	snop  }
0x10e: {  	[spmem:s4] =	stream.indirect.scatter.add.f32 [tilespmem:s25], [sflag:$0x3], $0x10, s18, s10, $0xb8;
	[tilespmem:$0x1D540] =	vst v63  }
0x10f: {  	_ =	swait.ge [sflag:s6], $0x1400  }
0x110: {  	[sflag:s6] =	ssyncset.done $0x0  }
0x111: {  	[sflag:s6] =	ssyncadd.s32 $0xFFFFEC00  }
0x112: {  	_ =	swait.ge [sflag:s7], $0x500  }
0x113: {  	[sflag:s7] =	ssyncset.done $0x0  }
0x114: {  	s18 =	sadd.s32 $0x230, s17;
	[sflag:s7] =	ssyncadd.s32 $0xFFFFFB00  }
0x115: {  	[tilespmem:s5], [sflag:$0x1] =	stream.indirect.gather [hbm4b:s1+s10], $0x40, s18, s10, $0xb8;
	[tilespmem:$0x1D540] =	vst v63  }
0x116: {  	_ =	swait.ge [sflag:s0], $0x1400  }
0x117: {  	[sflag:s0] =	ssyncset.done $0x0  }
0x118: {  	s18 =	sadd.s32 $0x5000, s17;
	[sflag:s0] =	ssyncadd.s32 $0xFFFFEC00  }
0x119: {  	[spmem:s3] =	stream.indirect.scatter.add.f32 [tilespmem:s2], [sflag:$0x2], $0x40, s18, s10, $0xb8;
	[tilespmem:$0x1D540] =	vst v63  }
0x11a: {  	_ = 	snop  }
0x11b: {  	[spmem:s4] =	stream.indirect.scatter.add.f32 [tilespmem:s25], [sflag:$0x3], $0x10, s18, s10, $0xb8;
	[tilespmem:$0x1D540] =	vst v63  }
0x11c: {  	_ =	swait.ge [sflag:s6], $0x1400  }
0x11d: {  	[sflag:s6] =	ssyncset.done $0x0  }
0x11e: {  	[sflag:s6] =	ssyncadd.s32 $0xFFFFEC00  }
0x11f: {  	_ =	swait.ge [sflag:s7], $0x500  }
0x120: {  	[sflag:s7] =	ssyncset.done $0x0  }
0x121: {  	s18 =	sadd.s32 $0x280, s17;
	[sflag:s7] =	ssyncadd.s32 $0xFFFFFB00  }
0x122: {  	[tilespmem:s12], [sflag:$0x1] =	stream.indirect.gather [hbm4b:s1+s10], $0x40, s18, s10, $0xb8;
	[tilespmem:$0x1D540] =	vst v63  }
0x123: {  	_ =	swait.ge [sflag:s0], $0x1400  }
0x124: {  	[sflag:s0] =	ssyncset.done $0x0  }
0x125: {  	s18 =	sadd.s32 $0x5050, s17;
	[sflag:s0] =	ssyncadd.s32 $0xFFFFEC00  }
0x126: {  	[spmem:s3] =	stream.indirect.scatter.add.f32 [tilespmem:s5], [sflag:$0x2], $0x40, s18, s10, $0xb8;
	[tilespmem:$0x1D540] =	vst v63  }
0x127: {  	_ = 	snop  }
0x128: {  	[spmem:s4] =	stream.indirect.scatter.add.f32 [tilespmem:s25], [sflag:$0x3], $0x10, s18, s10, $0xb8;
	[tilespmem:$0x1D540] =	vst v63  }
0x129: {  	_ =	swait.ge [sflag:s6], $0x1400  }
.Ltmp6:
0x12a: {  	[sflag:s6] =	ssyncset.done $0x0;
	(pc) =	sbr.rel @p1 .LBB2_9-.Ltmp6, $4  }
0x12b: {  	[sflag:s6] =	ssyncadd.s32 $0xFFFFEC00  }
0x12c: {  	_ =	swait.ge [sflag:s7], $0x500  }
0x12d: {  	[sflag:s7] =	ssyncset.done $0x0  }
0x12e: {  	s17 =	sadd.s32 $0x2D0, s17;
	[sflag:s7] =	ssyncadd.s32 $0xFFFFFB00  }
0x12f: {  	[tilespmem:s13], [sflag:$0x1] =	stream.indirect.gather [hbm4b:s1+s10], $0x40, s17, s10, $0xb8;
	[tilespmem:$0x1D540] =	vst v63  }
0x130: {  	_ =	swait.ge [sflag:s0], $0x1400  }
0x131: {  	[sflag:s0] =	ssyncset.done $0x0  }
0x132: {  	s16 =	simm.s32 $0x9BA0;
	[sflag:s0] =	ssyncadd.s32 $0xFFFFEC00  }
0x133: {  	[spmem:s3] =	stream.indirect.scatter.add.f32 [tilespmem:s12], [sflag:$0x2], $0x40, s16, s10, $0xb8;
	[tilespmem:$0x1D540] =	vst v63  }
0x134: {  	_ = 	snop  }
0x135: {  	[spmem:s4] =	stream.indirect.scatter.add.f32 [tilespmem:s25], [sflag:$0x3], $0x10, s16, s10, $0xb8;
	[tilespmem:$0x1D540] =	vst v63  }
0x136: {  	_ =	swait.ge [sflag:s6], $0x1400  }
0x137: {  	[sflag:s6] =	ssyncset.done $0x0  }
0x138: {  	[sflag:s6] =	ssyncadd.s32 $0xFFFFEC00  }
0x139: {  	_ =	swait.ge [sflag:s7], $0x500  }
0x13a: {  	[sflag:s7] =	ssyncset.done $0x0  }
0x13b: {  	[sflag:s7] =	ssyncadd.s32 $0xFFFFFB00  }
0x13c: {  	[tilespmem:s2], [sflag:$0x1] =	stream.indirect.gather [hbm4b:s1+s10], $0x40, s14, s10, $0xb8;
	[tilespmem:$0x1D540] =	vst v63  }
0x13d: {  	_ =	swait.ge [sflag:s0], $0x1400  }
0x13e: {  	[sflag:s0] =	ssyncset.done $0x0  }
0x13f: {  	s17 =	simm.s32 $0x9BF0;
	[sflag:s0] =	ssyncadd.s32 $0xFFFFEC00  }
0x140: {  	[spmem:s3] =	stream.indirect.scatter.add.f32 [tilespmem:s13], [sflag:$0x2], $0x40, s17, s10, $0xb8;
	[tilespmem:$0x1D540] =	vst v63  }
0x141: {  	_ = 	snop  }
0x142: {  	[spmem:s4] =	stream.indirect.scatter.add.f32 [tilespmem:s25], [sflag:$0x3], $0x10, s17, s10, $0xb8;
	[tilespmem:$0x1D540] =	vst v63  }
0x143: {  	_ =	swait.ge [sflag:s6], $0x1400  }
0x144: {  	[sflag:s6] =	ssyncset.done $0x0  }
0x145: {  	[sflag:s6] =	ssyncadd.s32 $0xFFFFEC00  }
0x146: {  	_ =	swait.ge [sflag:s7], $0x500  }
0x147: {  	[sflag:s7] =	ssyncset.done $0x0  }
0x148: {  	[sflag:s7] =	ssyncadd.s32 $0xFFFFFB00  }
0x149: {  	[tilespmem:s5], [sflag:$0x1] =	stream.indirect.gather [hbm4b:s1+s10], $0x40, s14, s10, $0xb8;
	[tilespmem:$0x1D540] =	vst v63  }
0x14a: {  	_ =	swait.ge [sflag:s6], $0x1400  }
0x14b: {  	[sflag:s6] =	ssyncset.done $0x0  }
0x14c: {  	[sflag:s6] =	ssyncadd.s32 $0xFFFFEC00  }
0x14d: {  	_ =	swait.ge [sflag:s7], $0x500  }
0x14e: {  	[sflag:s7] =	ssyncset.done $0x0  }
0x14f: {  	[sflag:s7] =	ssyncadd.s32 $0xFFFFFB00  }
0x150: {  	_ =	swait.ge [sflag:s6], $0x1400  }
0x151: {  	[sflag:s6] =	ssyncset.done $0x0  }
0x152: {  	[sflag:s6] =	ssyncadd.s32 $0xFFFFEC00  }
0x153: {  	_ =	swait.ge [sflag:s7], $0x500  }
0x154: {  	[sflag:s7] =	ssyncset.done $0x0  }
0x155: {  	[sflag:s7] =	ssyncadd.s32 $0xFFFFFB00  }
0x156: {  	_ =	swait.ge [sflag:s0], $0x1400  }
0x157: {  	[sflag:s0] =	ssyncset.done $0x0  }
0x158: {  	[sflag:s0] =	ssyncadd.s32 $0xFFFFEC00  }
0x159: {  	_ =	swait.ge [sflag:s0], $0x1400  }
0x15a: {  	[sflag:s0] =	ssyncset.done $0x0  }
0x15b: {  	s18 =	stileid.u32;
	s24 =	simm.s32 $0x10;
	[sflag:s0] =	ssyncadd.s32 $0xFFFFEC00  }
0x15c: {  	s26 =	simm.s32 $0x8;
	s16 =	sshll.u32 s18, $0x6;
	[bflag:$0x0] =	sbarrier.arrive $0xFFFF  }
0x15d: {  	s16 =	sor.u32 $0x1C04, s16;
	s17 =	sshrl.u32 s11, $0x3;
	s18 =	rddreg [dreg:$0x8]  }
0x15e: {  	[hbm:s18@s24], [sflag:s16] =	dma.strided [spmem:s17@s26], $0x1400, s0, $0x8   }
0x15f: {  	_ =	swait.ge [sflag:s30], $0x1400  }
0x160: {  	[sflag:s30] =	ssyncset.done $0x0;
	s24 =	rddreg [dreg:$0x9]  }
.Ltmp7:
0x161: {  	s26 =	rddreg [dreg:$0xf];
	[sflag:s30] =	ssyncadd.s32 $0xFFFFEC00;
	(pc) =	sbr.rel .LBB2_14-.Ltmp7, $4  }
0x162: {  	[hbm:s24], [sflag:s16] =	dma.local [spmem:s26], $0x500  }
0x163: {  	_ =	swait.ge [sflag:s30], $0x500  }
0x164: {  	[sflag:s30] =	ssyncset.done $0x0  }
0x165: {  	s22 =	simm.s32 $0x9BA0;
	s23 =	simm.s32 $0x9BF0;
	[sflag:s30] =	ssyncadd.s32 $0xFFFFFB00  }
.LBB2_11:
0x166: {  	[tilespmem:s12], [sflag:$0x1] =	stream.indirect.gather [hbm4b:s9+s10], $0x40, s16, s10, $0xb8;
	[tilespmem:$0x1D540] =	vst v63  }
0x167: {  	_ = 	snop  }
0x168: {  	[tilespmem:s13], [sflag:$0x1] =	stream.indirect.gather [hbm4b:s9+s10], $0x40, s10, s10, $0xb8;
	[tilespmem:$0x1D540] =	vst v63  }
0x169: {  	_ =	swait.ge [sflag:s0], $0x1400  }
0x16a: {  	[sflag:s0] =	ssyncset.done $0x0  }
0x16b: {  	[sflag:s0] =	ssyncadd.s32 $0xFFFFEC00  }
0x16c: {  	[spmem:s3] =	stream.indirect.scatter.add.f32 [tilespmem:s12], [sflag:$0x2], $0x40, s28, s10, $0xb8;
	[tilespmem:$0x1D540] =	vst v63  }
0x16d: {  	s18 =	simm.s32 $0xA0  }
0x16e: {  	[tilespmem:s2], [sflag:$0x1] =	stream.indirect.gather [hbm4b:s9+s10], $0x40, s18, s10, $0xb8;
	[tilespmem:$0x1D540] =	vst v63  }
0x16f: {  	_ =	swait.ge [sflag:s0], $0x1400  }
0x170: {  	[sflag:s0] =	ssyncset.done $0x0  }
0x171: {  	[sflag:s0] =	ssyncadd.s32 $0xFFFFEC00  }
0x172: {  	[spmem:s3] =	stream.indirect.scatter.add.f32 [tilespmem:s13], [sflag:$0x2], $0x40, s19, s10, $0xb8;
	[tilespmem:$0x1D540] =	vst v63  }
0x173: {  	s24 =	simm.s32 $0xF0  }
0x174: {  	[tilespmem:s5], [sflag:$0x1] =	stream.indirect.gather [hbm4b:s9+s10], $0x40, s24, s10, $0xb8;
	[tilespmem:$0x1D540] =	vst v63  }
0x175: {  	_ =	swait.ge [sflag:s0], $0x1400  }
0x176: {  	[sflag:s0] =	ssyncset.done $0x0  }
0x177: {  	[sflag:s0] =	ssyncadd.s32 $0xFFFFEC00  }
0x178: {  	[spmem:s3] =	stream.indirect.scatter.add.f32 [tilespmem:s2], [sflag:$0x2], $0x40, s20, s10, $0xb8;
	[tilespmem:$0x1D540] =	vst v63  }
0x179: {  	_ =	swait.ge [sflag:s6], $0x1400  }
0x17a: {  	[sflag:s6] =	ssyncset.done $0x0  }
0x17b: {  	s26 =	simm.s32 $0x140;
	[sflag:s6] =	ssyncadd.s32 $0xFFFFEC00  }
0x17c: {  	[tilespmem:s12], [sflag:$0x1] =	stream.indirect.gather [hbm4b:s9+s10], $0x40, s26, s10, $0xb8;
	[tilespmem:$0x1D540] =	vst v63  }
0x17d: {  	_ =	swait.ge [sflag:s0], $0x1400  }
0x17e: {  	[sflag:s0] =	ssyncset.done $0x0  }
0x17f: {  	[sflag:s0] =	ssyncadd.s32 $0xFFFFEC00  }
0x180: {  	[spmem:s3] =	stream.indirect.scatter.add.f32 [tilespmem:s5], [sflag:$0x2], $0x40, s21, s10, $0xb8;
	[tilespmem:$0x1D540] =	vst v63  }
0x181: {  	_ =	swait.ge [sflag:s6], $0x1400  }
0x182: {  	[sflag:s6] =	ssyncset.done $0x0  }
0x183: {  	s17 =	simm.s32 $0x190;
	[sflag:s6] =	ssyncadd.s32 $0xFFFFEC00  }
0x184: {  	[tilespmem:s13], [sflag:$0x1] =	stream.indirect.gather [hbm4b:s9+s10], $0x40, s17, s10, $0xb8;
	[tilespmem:$0x1D540] =	vst v63  }
0x185: {  	_ =	swait.ge [sflag:s0], $0x1400  }
0x186: {  	[sflag:s0] =	ssyncset.done $0x0  }
0x187: {  	s18 =	simm.s32 $0x4F60;
	[sflag:s0] =	ssyncadd.s32 $0xFFFFEC00  }
0x188: {  	[spmem:s3] =	stream.indirect.scatter.add.f32 [tilespmem:s12], [sflag:$0x2], $0x40, s18, s10, $0xb8;
	[tilespmem:$0x1D540] =	vst v63  }
0x189: {  	_ =	swait.ge [sflag:s6], $0x1400  }
0x18a: {  	[sflag:s6] =	ssyncset.done $0x0  }
0x18b: {  	s24 =	simm.s32 $0x1E0;
	[sflag:s6] =	ssyncadd.s32 $0xFFFFEC00  }
0x18c: {  	[tilespmem:s2], [sflag:$0x1] =	stream.indirect.gather [hbm4b:s9+s10], $0x40, s24, s10, $0xb8;
	[tilespmem:$0x1D540] =	vst v63  }
0x18d: {  	_ =	swait.ge [sflag:s0], $0x1400  }
0x18e: {  	[sflag:s0] =	ssyncset.done $0x0  }
0x18f: {  	s26 =	simm.s32 $0x4FB0;
	[sflag:s0] =	ssyncadd.s32 $0xFFFFEC00  }
0x190: {  	[spmem:s3] =	stream.indirect.scatter.add.f32 [tilespmem:s13], [sflag:$0x2], $0x40, s26, s10, $0xb8;
	[tilespmem:$0x1D540] =	vst v63  }
0x191: {  	_ =	swait.ge [sflag:s6], $0x1400  }
0x192: {  	[sflag:s6] =	ssyncset.done $0x0  }
0x193: {  	s17 =	simm.s32 $0x230;
	[sflag:s6] =	ssyncadd.s32 $0xFFFFEC00  }
0x194: {  	[tilespmem:s5], [sflag:$0x1] =	stream.indirect.gather [hbm4b:s9+s10], $0x40, s17, s10, $0xb8;
	[tilespmem:$0x1D540] =	vst v63  }
0x195: {  	_ =	swait.ge [sflag:s0], $0x1400  }
0x196: {  	[sflag:s0] =	ssyncset.done $0x0  }
0x197: {  	s18 =	simm.s32 $0x5000;
	[sflag:s0] =	ssyncadd.s32 $0xFFFFEC00  }
0x198: {  	[spmem:s3] =	stream.indirect.scatter.add.f32 [tilespmem:s2], [sflag:$0x2], $0x40, s18, s10, $0xb8;
	[tilespmem:$0x1D540] =	vst v63  }
0x199: {  	_ =	swait.ge [sflag:s6], $0x1400  }
0x19a: {  	[sflag:s6] =	ssyncset.done $0x0  }
0x19b: {  	s24 =	simm.s32 $0x280;
	[sflag:s6] =	ssyncadd.s32 $0xFFFFEC00  }
0x19c: {  	[tilespmem:s12], [sflag:$0x1] =	stream.indirect.gather [hbm4b:s9+s10], $0x40, s24, s10, $0xb8;
	[tilespmem:$0x1D540] =	vst v63  }
0x19d: {  	_ =	swait.ge [sflag:s0], $0x1400  }
0x19e: {  	[sflag:s0] =	ssyncset.done $0x0  }
0x19f: {  	s26 =	simm.s32 $0x5050;
	[sflag:s0] =	ssyncadd.s32 $0xFFFFEC00  }
0x1a0: {  	[spmem:s3] =	stream.indirect.scatter.add.f32 [tilespmem:s5], [sflag:$0x2], $0x40, s26, s10, $0xb8;
	[tilespmem:$0x1D540] =	vst v63  }
0x1a1: {  	_ =	swait.ge [sflag:s6], $0x1400  }
0x1a2: {  	[sflag:s6] =	ssyncset.done $0x0  }
0x1a3: {  	s16 =	simm.s32 $0x500;
	s17 =	simm.s32 $0x2D0;
	[sflag:s6] =	ssyncadd.s32 $0xFFFFEC00  }
.LBB2_12:
0x1a4: {  	[tilespmem:s13], [sflag:$0x1] =	stream.indirect.gather [hbm4b:s9+s10], $0x40, s17, s10, $0xb8;
	[tilespmem:$0x1D540] =	vst v63  }
0x1a5: {  	s17 =	smov.u32 s16  }
0x1a6: {  	p1 =	sne.s32 s16, $0x12C00;
	s16 =	sadd.s32 $0x500, s16;
	_ =	swait.ge [sflag:s0], $0x1400  }
0x1a7: {  	s17 =	sshra.s32 s17, $0x2;
	[sflag:s0] =	ssyncset.done $0x0  }
0x1a8: {  	s18 =	sadd.s32 $0x4F60, s17;
	[sflag:s0] =	ssyncadd.s32 $0xFFFFEC00  }
0x1a9: {  	[spmem:s3] =	stream.indirect.scatter.add.f32 [tilespmem:s12], [sflag:$0x2], $0x40, s18, s10, $0xb8;
	[tilespmem:$0x1D540] =	vst v63  }
0x1aa: {  	_ =	swait.ge [sflag:s6], $0x1400  }
0x1ab: {  	[sflag:s6] =	ssyncset.done $0x0  }
0x1ac: {  	s18 =	sadd.s32 $0x1E0, s17;
	[sflag:s6] =	ssyncadd.s32 $0xFFFFEC00  }
0x1ad: {  	[tilespmem:s2], [sflag:$0x1] =	stream.indirect.gather [hbm4b:s9+s10], $0x40, s18, s10, $0xb8;
	[tilespmem:$0x1D540] =	vst v63  }
0x1ae: {  	_ =	swait.ge [sflag:s0], $0x1400  }
0x1af: {  	[sflag:s0] =	ssyncset.done $0x0  }
0x1b0: {  	s18 =	sadd.s32 $0x4FB0, s17;
	[sflag:s0] =	ssyncadd.s32 $0xFFFFEC00  }
0x1b1: {  	[spmem:s3] =	stream.indirect.scatter.add.f32 [tilespmem:s13], [sflag:$0x2], $0x40, s18, s10, $0xb8;
	[tilespmem:$0x1D540] =	vst v63  }
0x1b2: {  	_ =	swait.ge [sflag:s6], $0x1400  }
0x1b3: {  	[sflag:s6] =	ssyncset.done $0x0  }
0x1b4: {  	s18 =	sadd.s32 $0x230, s17;
	[sflag:s6] =	ssyncadd.s32 $0xFFFFEC00  }
0x1b5: {  	[tilespmem:s5], [sflag:$0x1] =	stream.indirect.gather [hbm4b:s9+s10], $0x40, s18, s10, $0xb8;
	[tilespmem:$0x1D540] =	vst v63  }
0x1b6: {  	_ =	swait.ge [sflag:s0], $0x1400  }
0x1b7: {  	[sflag:s0] =	ssyncset.done $0x0  }
0x1b8: {  	s18 =	sadd.s32 $0x5000, s17;
	[sflag:s0] =	ssyncadd.s32 $0xFFFFEC00  }
0x1b9: {  	[spmem:s3] =	stream.indirect.scatter.add.f32 [tilespmem:s2], [sflag:$0x2], $0x40, s18, s10, $0xb8;
	[tilespmem:$0x1D540] =	vst v63  }
0x1ba: {  	_ =	swait.ge [sflag:s6], $0x1400  }
0x1bb: {  	[sflag:s6] =	ssyncset.done $0x0  }
0x1bc: {  	s18 =	sadd.s32 $0x280, s17;
	[sflag:s6] =	ssyncadd.s32 $0xFFFFEC00  }
0x1bd: {  	[tilespmem:s12], [sflag:$0x1] =	stream.indirect.gather [hbm4b:s9+s10], $0x40, s18, s10, $0xb8;
	[tilespmem:$0x1D540] =	vst v63  }
0x1be: {  	_ =	swait.ge [sflag:s0], $0x1400  }
0x1bf: {  	[sflag:s0] =	ssyncset.done $0x0  }
.Ltmp8:
0x1c0: {  	s18 =	sadd.s32 $0x5050, s17;
	[sflag:s0] =	ssyncadd.s32 $0xFFFFEC00;
	(pc) =	sbr.rel @p1 .LBB2_12-.Ltmp8, $4  }
0x1c1: {  	[spmem:s3] =	stream.indirect.scatter.add.f32 [tilespmem:s5], [sflag:$0x2], $0x40, s18, s10, $0xb8;
	[tilespmem:$0x1D540] =	vst v63  }
0x1c2: {  	_ =	swait.ge [sflag:s6], $0x1400  }
0x1c3: {  	[sflag:s6] =	ssyncset.done $0x0  }
0x1c4: {  	s17 =	sadd.s32 $0x2D0, s17;
	[sflag:s6] =	ssyncadd.s32 $0xFFFFEC00  }
.Ltmp9:
0x1c5: {  	_ = 	snop;
	(pc) =	sbr.rel .LBB2_13-.Ltmp9, $1  }
0x1c6: {  	_ =	sdelay $0x3  }
.LBB2_15:
0x1c7: {  	_ =	sfence.sel $0x180000  }
0x1c8: {  	[bflag:$0x0] =	sbarrier.arrive $0xFFFF  }
0x1c9: {  	_ =	strace $0x90000047  }
0x1ca: {  	s0 =	stileid.u32;
	[bflag:$0x2] =	sbarrier.arrive $0xFFFF  }
0x1cb: {  	p0 =	sne.s32 s0, $0x0;
	s0 =	rddreg [dreg:$0x4]  }
0x1cc: {  	s0 =	sadd.s32 @!p0 $0x100000, s0  }
0x1cd: {  	[sflag:s0] =	ssyncadd.tile.s32 @!p0 $0x1;
	_ =	shalt  }
.Lfunc_end2:
_tile_overlayer_lowered:
.L_overlay_start_2:
0x1ce: {  	(tag) =	ssettag $0x2  }
0x1cf: {  	s0 =	rddreg [dreg:$0x0];
	s2 =	stileid.u32  }
0x1d0: {  	s1 =	rddreg [dreg:$0x1];
	p0 =	sne.s32 s2, $0x0  }
0x1d1: {  	s3 =	rddreg [dreg:$0x2];
	[bflag:$0x3] =	sbarrier.arrive $0xFFFF;
	s2 =	simm.s32 @!p0 $0x1C04  }
0x1d2: {  	[timem:s3], [sflag:s2] =	dma.local @!p0 [hbm:s0], s1  }
0x1d3: {  	s0 =	simm.s32 @!p0 $0x4  }
0x1d4: {  	_ =	swait.ge @!p0 [sflag:s0], s1  }
0x1d5: {  	s1 =	ssub.s32 @!p0 $0x0, s1;
	[sflag:s0] =	ssyncset.done @!p0 $0x0  }
0x1d6: {  	[sflag:s0] =	ssyncadd.s32 @!p0 s1  }
0x1d7: {  	[bflag:$0x3] =	sbarrier.arrive $0xFFFF  }
0x1d8: {  	_ =	shalt  }

</sc_bundles>
